<compile_context>
chip_gen: v7x
topology: tpu7x:2x2x1
jax: 0.10.2.dev20260603
libtpu: 0.0.44.dev20260713+nightly
codegen_flags: <defaults>
</compile_context>

<pallas_src>
import functools

import jax
import jax.numpy as jnp
from jax import lax
from jax.experimental import pallas as pl
from jax.experimental.pallas import tpu as pltpu
from jax.experimental.pallas import tpu_sc as plsc

_W = 8
_L = 16


@functools.lru_cache(maxsize=None)
def _make_lookup(vocab: int, embed: int, batch: int):
  info = plsc.get_sparse_core_info()
  nc, ns = info.num_cores, info.num_subcores
  nw = nc * ns
  bpw = batch // nw
  waves = bpw // _W
  assert waves % 2 == 0 and embed == 2 * _L
  mesh = plsc.VectorSubcoreMesh(core_axis_name="c", subcore_axis_name="s")

  @functools.partial(
      pl.kernel,
      mesh=mesh,
      out_type=jax.ShapeDtypeStruct((embed, batch), jnp.float32),
      scratch_types=[
          pltpu.VMEM((bpw + _L,), jnp.int32),
          pltpu.VMEM((embed, bpw), jnp.float32),
          pltpu.SemaphoreType.DMA,
          pltpu.SemaphoreType.DMA,
      ]
      + [pltpu.VMEM((embed, 128), jnp.float32) for _ in range(2 * _W)],
      compiler_params=pltpu.CompilerParams(needs_layout_passes=False),
  )
  def lookup(emb_hbm, idx_hbm, out_hbm, idx_s, t_v, sem_i, sem, *slabs):
    iota = lax.iota(jnp.int32, _L)
    wid = lax.axis_index("s") * nc + lax.axis_index("c")
    base = wid * bpw
    pltpu.async_copy(
        idx_hbm.at[pl.ds(base, bpw)], idx_s.at[pl.ds(0, bpw)], sem_i
    ).wait()

    def fire_wave(g, bank):
      rv = idx_s[pl.ds(g * _W, _L)]
      cbv = (rv // 128) * 128
      for ss in range(_W):
        cb = pl.multiple_of(cbv[ss], 128)
        pltpu.async_copy(
            emb_hbm.at[:, pl.ds(cb, 128)], slabs[bank * _W + ss], sem
        )

    def drain_wave():
      cp = pltpu.make_async_copy(
          emb_hbm.at[:, pl.ds(0, 128)], slabs[0], sem
      )
      for _ in range(_W):
        cp.wait()

    def extract_wave(g, bank):
      rv = idx_s[pl.ds(g * _W, _L)]
      lanev = rv & 127
      for ss in range(_W):
        lane = jnp.full((_L,), lanev[ss], jnp.int32)
        bcol = jnp.full((_L,), g * _W + ss, jnp.int32)
        for h in range(2):
          col = plsc.load_gather(
              slabs[bank * _W + ss], [h * _L + iota, lane]
          )
          plsc.store_scatter(t_v, [h * _L + iota, bcol], col)

    fire_wave(0, 0)

    def step(g2, carry):
      g = g2 * 2
      for half in range(2):

        @pl.when(g + half + 1 < waves)
        def _():
          fire_wave(g + half + 1, 1 - half)

        drain_wave()
        extract_wave(g + half, half)
      return carry

    lax.fori_loop(0, waves // 2, step, 0)
    pltpu.sync_copy(t_v, out_hbm.at[:, pl.ds(base, bpw)])

  return lookup


def kernel(inputs, embeddings):
  batch, = inputs.shape
  vocab, embed = embeddings.shape
  idx = inputs.astype(jnp.int32)
  out_t = _make_lookup(vocab, embed, batch)(embeddings.T, idx)
  return out_t.T

# --- scband reference (transcript-rebuilt; emitter-appended) ---
"""Pipeline reference for scband-embedding-inputlayer-73744588472738 (READ-ONLY COPY).

The authoritative reference and input builder live on the scoring server;
editing this copy changes nothing except your own understanding.
"""

import jax, jax.numpy as jnp
import numpy as np

VOCAB = 1000000
EMBED = 32
BATCH = 16384

def setup_inputs(seed: int = 0) -> dict:
    key = jax.random.key(seed)
    k_idx, k_emb = jax.random.split(key)
    inputs = jax.random.randint(k_idx, (BATCH,), 0, VOCAB, dtype=jnp.int64 if jax.config.jax_enable_x64 else jnp.int32)
    # embeddings initialized like tf.random_uniform: uniform in [0, 1)
    embeddings = jax.random.uniform(k_emb, (VOCAB, EMBED), dtype=jnp.float32)
    return {"inputs": inputs, "embeddings": embeddings}

def reference(inputs, embeddings):
    # tf.nn.embedding_lookup(embeddings, inputs)
    return jnp.take(embeddings, inputs, axis=0)

if __name__ == "__main__":
    import jax
    _d = setup_inputs()
    print(jax.jit(kernel)(*tuple(_d.values())))

</pallas_src>

<mosaic_0001>
#map = affine_map<(d0, d1) -> (0, 0)>
#map1 = affine_map<(d0, d1) -> (0)>
module attributes {stable_mosaic.version = 14 : i64} {
  func.func @lookup(%arg0: i32, %arg1: i32, %arg2: memref<32x1000000xf32, #tpu.memory_space<hbm>>, %arg3: memref<16384xi32, #tpu.memory_space<hbm>>, %arg4: memref<32x16384xf32, #tpu.memory_space<hbm>>, %arg5: memref<528xi32, #tpu.memory_space<vmem>>, %arg6: memref<32x512xf32, #tpu.memory_space<vmem>>, %arg7: memref<!tpu.dma_semaphore, #tpu.memory_space<semaphore_mem>>, %arg8: memref<!tpu.dma_semaphore, #tpu.memory_space<semaphore_mem>>, %arg9: memref<32x128xf32, #tpu.memory_space<vmem>>, %arg10: memref<32x128xf32, #tpu.memory_space<vmem>>, %arg11: memref<32x128xf32, #tpu.memory_space<vmem>>, %arg12: memref<32x128xf32, #tpu.memory_space<vmem>>, %arg13: memref<32x128xf32, #tpu.memory_space<vmem>>, %arg14: memref<32x128xf32, #tpu.memory_space<vmem>>, %arg15: memref<32x128xf32, #tpu.memory_space<vmem>>, %arg16: memref<32x128xf32, #tpu.memory_space<vmem>>, %arg17: memref<32x128xf32, #tpu.memory_space<vmem>>, %arg18: memref<32x128xf32, #tpu.memory_space<vmem>>, %arg19: memref<32x128xf32, #tpu.memory_space<vmem>>, %arg20: memref<32x128xf32, #tpu.memory_space<vmem>>, %arg21: memref<32x128xf32, #tpu.memory_space<vmem>>, %arg22: memref<32x128xf32, #tpu.memory_space<vmem>>, %arg23: memref<32x128xf32, #tpu.memory_space<vmem>>, %arg24: memref<32x128xf32, #tpu.memory_space<vmem>>) attributes {dimension_semantics = [#tpu.dimension_semantics<core_parallel>, #tpu.dimension_semantics<subcore_parallel>], iteration_bounds = array<i64: 2, 16>, scalar_prefetch = 0 : i64, scratch_operands = 20 : i64, tpu.core_type = #tpu.core_type<sc_vector_subcore>, window_params = [{transform_indices = #map}, {transform_indices = #map1}, {transform_indices = #map}]} {
    %iota3A = tpu.iota {dimensions = array<i32: 0>} : vector<16xi32>
    %mul3A = arith.constant 2 : i32
    %mul3A_0 = arith.muli %arg1, %mul3A : i32
    %add3A = arith.addi %mul3A_0, %arg0 : i32
    %mul3A_1 = arith.constant 512 : i32
    %mul3A_2 = arith.muli %add3A, %mul3A_1 : i32
    %dma_start3A = arith.constant 0 : i32
    %dma_start3A_3 = tpu.memref_slice %arg5[%dma_start3A] : memref<528xi32, #tpu.memory_space<vmem>> -> memref<512xi32, #tpu.memory_space<vmem>>
    %dma_start3A_4 = tpu.memref_slice %arg3[%mul3A_2] : memref<16384xi32, #tpu.memory_space<hbm>> -> memref<512xi32, #tpu.memory_space<hbm>>
    %dma_start3A_5 = arith.constant 0 : i32
    %dma_start3A_6 = tpu.memref_slice %arg5[%dma_start3A_5] : memref<528xi32, #tpu.memory_space<vmem>> -> memref<512xi32, #tpu.memory_space<vmem>>
    %dma_start3A_7 = tpu.memref_slice %arg3[%mul3A_2] : memref<16384xi32, #tpu.memory_space<hbm>> -> memref<512xi32, #tpu.memory_space<hbm>>
    tpu.enqueue_dma source(%dma_start3A_7 : memref<512xi32, #tpu.memory_space<hbm>>) target(%dma_start3A_6 : memref<512xi32, #tpu.memory_space<vmem>>) target_semaphore(%arg7 : memref<!tpu.dma_semaphore, #tpu.memory_space<semaphore_mem>>)
    %dma_wait3A = arith.constant 0 : i32
    %dma_wait3A_8 = tpu.memref_slice %arg5[%dma_wait3A] : memref<528xi32, #tpu.memory_space<vmem>> -> memref<512xi32, #tpu.memory_space<vmem>>
    %dma_wait3A_9 = tpu.memref_slice %arg3[%mul3A_2] : memref<16384xi32, #tpu.memory_space<hbm>> -> memref<512xi32, #tpu.memory_space<hbm>>
    %dma_wait3A_10 = arith.constant 0 : i32
    %dma_wait3A_11 = tpu.memref_slice %arg5[%dma_wait3A_10] : memref<528xi32, #tpu.memory_space<vmem>> -> memref<512xi32, #tpu.memory_space<vmem>>
    %dma_wait3A_12 = tpu.memref_slice %arg3[%mul3A_2] : memref<16384xi32, #tpu.memory_space<hbm>> -> memref<512xi32, #tpu.memory_space<hbm>>
    tpu.wait_dma2 semaphore(%arg7 : memref<!tpu.dma_semaphore, #tpu.memory_space<semaphore_mem>>) src(%dma_wait3A_12 : memref<512xi32, #tpu.memory_space<hbm>>) dst(%dma_wait3A_11 : memref<512xi32, #tpu.memory_space<vmem>>)
    %get3A = arith.constant 0 : index
    %get3A_13 = tpu.vector_load %arg5[%get3A] {strides = array<i32>} : memref<528xi32, #tpu.memory_space<vmem>>, vector<16xi32>,
    %jit3A = arith.constant 128 : i32
    %div3A = vector.broadcast %jit3A : i32 to vector<16xi32>
    %div3A_14 = arith.divsi %get3A_13, %div3A : vector<16xi32>
    %sign3A = arith.constant 0 : i32
    %sign3A_15 = vector.broadcast %sign3A : i32 to vector<16xi32>
    %sign3A_16 = arith.cmpi sgt, %get3A_13, %sign3A_15 : vector<16xi32>
    %sign3A_17 = arith.extui %sign3A_16 : vector<16xi1> to vector<16xi32>
    %sign3A_18 = arith.constant 0 : i32
    %sign3A_19 = vector.broadcast %sign3A_18 : i32 to vector<16xi32>
    %sign3A_20 = arith.cmpi slt, %get3A_13, %sign3A_19 : vector<16xi32>
    %sign3A_21 = arith.extui %sign3A_20 : vector<16xi1> to vector<16xi32>
    %sign3A_22 = arith.subi %sign3A_17, %sign3A_21 : vector<16xi32>
    %sign3A_23 = arith.constant 0 : i32
    %sign3A_24 = arith.cmpi sgt, %jit3A, %sign3A_23 : i32
    %sign3A_25 = arith.extui %sign3A_24 : i1 to i32
    %sign3A_26 = arith.constant 0 : i32
    %sign3A_27 = arith.cmpi slt, %jit3A, %sign3A_26 : i32
    %sign3A_28 = arith.extui %sign3A_27 : i1 to i32
    %sign3A_29 = arith.subi %sign3A_25, %sign3A_28 : i32
    %ne3A = vector.broadcast %sign3A_29 : i32 to vector<16xi32>
    %ne3A_30 = arith.cmpi ne, %sign3A_22, %ne3A : vector<16xi32>
    %rem3A = vector.broadcast %jit3A : i32 to vector<16xi32>
    %rem3A_31 = arith.remsi %get3A_13, %rem3A : vector<16xi32>
    %ne3A_32 = arith.constant 0 : i32
    %ne3A_33 = vector.broadcast %ne3A_32 : i32 to vector<16xi32>
    %ne3A_34 = arith.cmpi ne, %rem3A_31, %ne3A_33 : vector<16xi32>
    %and3A = arith.andi %ne3A_30, %ne3A_34 : vector<16xi1>
    %sub3A = arith.constant 1 : i32
    %sub3A_35 = vector.broadcast %sub3A : i32 to vector<16xi32>
    %sub3A_36 = arith.subi %div3A_14, %sub3A_35 : vector<16xi32>
    %select_n3A = arith.select %and3A, %sub3A_36, %div3A_14 : vector<16xi1>, vector<16xi32>
    %mul3A_37 = arith.constant 128 : i32
    %mul3A_38 = vector.broadcast %mul3A_37 : i32 to vector<16xi32>
    %mul3A_39 = arith.muli %select_n3A, %mul3A_38 : vector<16xi32>
    %slice3A = vector.extract_strided_slice %mul3A_39 {offsets = [0], sizes = [1], strides = [1]} : vector<16xi32> to vector<1xi32>
    %squeeze3A = vector.extract %slice3A[0] : i32 from vector<1xi32>
    %multiple_of3A = tpu.assume_multiple %squeeze3A, 128 : i32
    %dma_start3A_40 = arith.constant 0 : i32
    %dma_start3A_41 = tpu.memref_slice %arg2[%dma_start3A_40, %multiple_of3A] : memref<32x1000000xf32, #tpu.memory_space<hbm>> -> memref<32x128xf32, #tpu.memory_space<hbm>>
    %dma_start3A_42 = arith.constant 0 : i32
    %dma_start3A_43 = tpu.memref_slice %arg2[%dma_start3A_42, %multiple_of3A] : memref<32x1000000xf32, #tpu.memory_space<hbm>> -> memref<32x128xf32, #tpu.memory_space<hbm>>
    tpu.enqueue_dma source(%dma_start3A_43 : memref<32x128xf32, #tpu.memory_space<hbm>>) target(%arg9 : memref<32x128xf32, #tpu.memory_space<vmem>>) target_semaphore(%arg8 : memref<!tpu.dma_semaphore, #tpu.memory_space<semaphore_mem>>)
    %slice3A_44 = vector.extract_strided_slice %mul3A_39 {offsets = [1], sizes = [1], strides = [1]} : vector<16xi32> to vector<1xi32>
    %squeeze3A_45 = vector.extract %slice3A_44[0] : i32 from vector<1xi32>
    %multiple_of3A_46 = tpu.assume_multiple %squeeze3A_45, 128 : i32
    %dma_start3A_47 = arith.constant 0 : i32
    %dma_start3A_48 = tpu.memref_slice %arg2[%dma_start3A_47, %multiple_of3A_46] : memref<32x1000000xf32, #tpu.memory_space<hbm>> -> memref<32x128xf32, #tpu.memory_space<hbm>>
    %dma_start3A_49 = arith.constant 0 : i32
    %dma_start3A_50 = tpu.memref_slice %arg2[%dma_start3A_49, %multiple_of3A_46] : memref<32x1000000xf32, #tpu.memory_space<hbm>> -> memref<32x128xf32, #tpu.memory_space<hbm>>
    tpu.enqueue_dma source(%dma_start3A_50 : memref<32x128xf32, #tpu.memory_space<hbm>>) target(%arg10 : memref<32x128xf32, #tpu.memory_space<vmem>>) target_semaphore(%arg8 : memref<!tpu.dma_semaphore, #tpu.memory_space<semaphore_mem>>)
    %slice3A_51 = vector.extract_strided_slice %mul3A_39 {offsets = [2], sizes = [1], strides = [1]} : vector<16xi32> to vector<1xi32>
    %squeeze3A_52 = vector.extract %slice3A_51[0] : i32 from vector<1xi32>
    %multiple_of3A_53 = tpu.assume_multiple %squeeze3A_52, 128 : i32
    %dma_start3A_54 = arith.constant 0 : i32
    %dma_start3A_55 = tpu.memref_slice %arg2[%dma_start3A_54, %multiple_of3A_53] : memref<32x1000000xf32, #tpu.memory_space<hbm>> -> memref<32x128xf32, #tpu.memory_space<hbm>>
    %dma_start3A_56 = arith.constant 0 : i32
    %dma_start3A_57 = tpu.memref_slice %arg2[%dma_start3A_56, %multiple_of3A_53] : memref<32x1000000xf32, #tpu.memory_space<hbm>> -> memref<32x128xf32, #tpu.memory_space<hbm>>
    tpu.enqueue_dma source(%dma_start3A_57 : memref<32x128xf32, #tpu.memory_space<hbm>>) target(%arg11 : memref<32x128xf32, #tpu.memory_space<vmem>>) target_semaphore(%arg8 : memref<!tpu.dma_semaphore, #tpu.memory_space<semaphore_mem>>)
    %slice3A_58 = vector.extract_strided_slice %mul3A_39 {offsets = [3], sizes = [1], strides = [1]} : vector<16xi32> to vector<1xi32>
    %squeeze3A_59 = vector.extract %slice3A_58[0] : i32 from vector<1xi32>
    %multiple_of3A_60 = tpu.assume_multiple %squeeze3A_59, 128 : i32
    %dma_start3A_61 = arith.constant 0 : i32
    %dma_start3A_62 = tpu.memref_slice %arg2[%dma_start3A_61, %multiple_of3A_60] : memref<32x1000000xf32, #tpu.memory_space<hbm>> -> memref<32x128xf32, #tpu.memory_space<hbm>>
    %dma_start3A_63 = arith.constant 0 : i32
    %dma_start3A_64 = tpu.memref_slice %arg2[%dma_start3A_63, %multiple_of3A_60] : memref<32x1000000xf32, #tpu.memory_space<hbm>> -> memref<32x128xf32, #tpu.memory_space<hbm>>
    tpu.enqueue_dma source(%dma_start3A_64 : memref<32x128xf32, #tpu.memory_space<hbm>>) target(%arg12 : memref<32x128xf32, #tpu.memory_space<vmem>>) target_semaphore(%arg8 : memref<!tpu.dma_semaphore, #tpu.memory_space<semaphore_mem>>)
    %slice3A_65 = vector.extract_strided_slice %mul3A_39 {offsets = [4], sizes = [1], strides = [1]} : vector<16xi32> to vector<1xi32>
    %squeeze3A_66 = vector.extract %slice3A_65[0] : i32 from vector<1xi32>
    %multiple_of3A_67 = tpu.assume_multiple %squeeze3A_66, 128 : i32
    %dma_start3A_68 = arith.constant 0 : i32
    %dma_start3A_69 = tpu.memref_slice %arg2[%dma_start3A_68, %multiple_of3A_67] : memref<32x1000000xf32, #tpu.memory_space<hbm>> -> memref<32x128xf32, #tpu.memory_space<hbm>>
    %dma_start3A_70 = arith.constant 0 : i32
    %dma_start3A_71 = tpu.memref_slice %arg2[%dma_start3A_70, %multiple_of3A_67] : memref<32x1000000xf32, #tpu.memory_space<hbm>> -> memref<32x128xf32, #tpu.memory_space<hbm>>
    tpu.enqueue_dma source(%dma_start3A_71 : memref<32x128xf32, #tpu.memory_space<hbm>>) target(%arg13 : memref<32x128xf32, #tpu.memory_space<vmem>>) target_semaphore(%arg8 : memref<!tpu.dma_semaphore, #tpu.memory_space<semaphore_mem>>)
    %slice3A_72 = vector.extract_strided_slice %mul3A_39 {offsets = [5], sizes = [1], strides = [1]} : vector<16xi32> to vector<1xi32>
    %squeeze3A_73 = vector.extract %slice3A_72[0] : i32 from vector<1xi32>
    %multiple_of3A_74 = tpu.assume_multiple %squeeze3A_73, 128 : i32
    %dma_start3A_75 = arith.constant 0 : i32
    %dma_start3A_76 = tpu.memref_slice %arg2[%dma_start3A_75, %multiple_of3A_74] : memref<32x1000000xf32, #tpu.memory_space<hbm>> -> memref<32x128xf32, #tpu.memory_space<hbm>>
    %dma_start3A_77 = arith.constant 0 : i32
    %dma_start3A_78 = tpu.memref_slice %arg2[%dma_start3A_77, %multiple_of3A_74] : memref<32x1000000xf32, #tpu.memory_space<hbm>> -> memref<32x128xf32, #tpu.memory_space<hbm>>
    tpu.enqueue_dma source(%dma_start3A_78 : memref<32x128xf32, #tpu.memory_space<hbm>>) target(%arg14 : memref<32x128xf32, #tpu.memory_space<vmem>>) target_semaphore(%arg8 : memref<!tpu.dma_semaphore, #tpu.memory_space<semaphore_mem>>)
    %slice3A_79 = vector.extract_strided_slice %mul3A_39 {offsets = [6], sizes = [1], strides = [1]} : vector<16xi32> to vector<1xi32>
    %squeeze3A_80 = vector.extract %slice3A_79[0] : i32 from vector<1xi32>
    %multiple_of3A_81 = tpu.assume_multiple %squeeze3A_80, 128 : i32
    %dma_start3A_82 = arith.constant 0 : i32
    %dma_start3A_83 = tpu.memref_slice %arg2[%dma_start3A_82, %multiple_of3A_81] : memref<32x1000000xf32, #tpu.memory_space<hbm>> -> memref<32x128xf32, #tpu.memory_space<hbm>>
    %dma_start3A_84 = arith.constant 0 : i32
    %dma_start3A_85 = tpu.memref_slice %arg2[%dma_start3A_84, %multiple_of3A_81] : memref<32x1000000xf32, #tpu.memory_space<hbm>> -> memref<32x128xf32, #tpu.memory_space<hbm>>
    tpu.enqueue_dma source(%dma_start3A_85 : memref<32x128xf32, #tpu.memory_space<hbm>>) target(%arg15 : memref<32x128xf32, #tpu.memory_space<vmem>>) target_semaphore(%arg8 : memref<!tpu.dma_semaphore, #tpu.memory_space<semaphore_mem>>)
    %slice3A_86 = vector.extract_strided_slice %mul3A_39 {offsets = [7], sizes = [1], strides = [1]} : vector<16xi32> to vector<1xi32>
    %squeeze3A_87 = vector.extract %slice3A_86[0] : i32 from vector<1xi32>
    %multiple_of3A_88 = tpu.assume_multiple %squeeze3A_87, 128 : i32
    %dma_start3A_89 = arith.constant 0 : i32
    %dma_start3A_90 = tpu.memref_slice %arg2[%dma_start3A_89, %multiple_of3A_88] : memref<32x1000000xf32, #tpu.memory_space<hbm>> -> memref<32x128xf32, #tpu.memory_space<hbm>>
    %dma_start3A_91 = arith.constant 0 : i32
    %dma_start3A_92 = tpu.memref_slice %arg2[%dma_start3A_91, %multiple_of3A_88] : memref<32x1000000xf32, #tpu.memory_space<hbm>> -> memref<32x128xf32, #tpu.memory_space<hbm>>
    tpu.enqueue_dma source(%dma_start3A_92 : memref<32x128xf32, #tpu.memory_space<hbm>>) target(%arg16 : memref<32x128xf32, #tpu.memory_space<vmem>>) target_semaphore(%arg8 : memref<!tpu.dma_semaphore, #tpu.memory_space<semaphore_mem>>)
    %scan3A = arith.constant 0 : i32
    %scan3A_93 = arith.constant 0 : i32
    %scan3A_94 = arith.constant 32 : i32
    %scan3A_95 = arith.addi %scan3A_93, %scan3A_94 : i32
    %scan3A_96 = arith.constant 1 : i32
    scf.for %scan3A_98 = %scan3A_93 to %scan3A_95 step %scan3A_96  : i32 {
      %mul3A_99 = arith.constant 2 : i32
      %mul3A_100 = arith.muli %scan3A_98, %mul3A_99 : i32
      %add3A_101 = arith.constant 0 : i32
      %add3A_102 = arith.addi %mul3A_100, %add3A_101 : i32
      %add3A_103 = arith.constant 1 : i32
      %add3A_104 = arith.addi %add3A_102, %add3A_103 : i32
      %lt3A = arith.constant 64 : i32
      %lt3A_105 = arith.cmpi slt, %add3A_104, %lt3A : i32
      %convert_element_type3A = arith.extui %lt3A_105 : i1 to i32
      %cond3A = arith.constant 0 : i32
      %cond3A_106 = arith.cmpi ne, %convert_element_type3A, %cond3A : i32
      scf.if %cond3A_106 {
        %add3A_580 = arith.constant 0 : i32
        %add3A_581 = arith.addi %mul3A_100, %add3A_580 : i32
        %add3A_582 = arith.constant 1 : i32
        %add3A_583 = arith.addi %add3A_581, %add3A_582 : i32
        %mul3A_584 = arith.constant 8 : i32
        %mul3A_585 = arith.muli %add3A_583, %mul3A_584 : i32
        %get3A_586 = arith.index_cast %mul3A_585 : i32 to index
        %get3A_587 = tpu.vector_load %arg5[%get3A_586] {strides = array<i32>} : memref<528xi32, #tpu.memory_space<vmem>>, vector<16xi32>,
        %jit3A_588 = arith.constant 128 : i32
        %div3A_589 = vector.broadcast %jit3A_588 : i32 to vector<16xi32>
        %div3A_590 = arith.divsi %get3A_587, %div3A_589 : vector<16xi32>
        %sign3A_591 = arith.constant 0 : i32
        %sign3A_592 = vector.broadcast %sign3A_591 : i32 to vector<16xi32>
        %sign3A_593 = arith.cmpi sgt, %get3A_587, %sign3A_592 : vector<16xi32>
        %sign3A_594 = arith.extui %sign3A_593 : vector<16xi1> to vector<16xi32>
        %sign3A_595 = arith.constant 0 : i32
        %sign3A_596 = vector.broadcast %sign3A_595 : i32 to vector<16xi32>
        %sign3A_597 = arith.cmpi slt, %get3A_587, %sign3A_596 : vector<16xi32>
        %sign3A_598 = arith.extui %sign3A_597 : vector<16xi1> to vector<16xi32>
        %sign3A_599 = arith.subi %sign3A_594, %sign3A_598 : vector<16xi32>
        %sign3A_600 = arith.constant 0 : i32
        %sign3A_601 = arith.cmpi sgt, %jit3A_588, %sign3A_600 : i32
        %sign3A_602 = arith.extui %sign3A_601 : i1 to i32
        %sign3A_603 = arith.constant 0 : i32
        %sign3A_604 = arith.cmpi slt, %jit3A_588, %sign3A_603 : i32
        %sign3A_605 = arith.extui %sign3A_604 : i1 to i32
        %sign3A_606 = arith.subi %sign3A_602, %sign3A_605 : i32
        %ne3A_607 = vector.broadcast %sign3A_606 : i32 to vector<16xi32>
        %ne3A_608 = arith.cmpi ne, %sign3A_599, %ne3A_607 : vector<16xi32>
        %rem3A_609 = vector.broadcast %jit3A_588 : i32 to vector<16xi32>
        %rem3A_610 = arith.remsi %get3A_587, %rem3A_609 : vector<16xi32>
        %ne3A_611 = arith.constant 0 : i32
        %ne3A_612 = vector.broadcast %ne3A_611 : i32 to vector<16xi32>
        %ne3A_613 = arith.cmpi ne, %rem3A_610, %ne3A_612 : vector<16xi32>
        %and3A_614 = arith.andi %ne3A_608, %ne3A_613 : vector<16xi1>
        %sub3A_615 = arith.constant 1 : i32
        %sub3A_616 = vector.broadcast %sub3A_615 : i32 to vector<16xi32>
        %sub3A_617 = arith.subi %div3A_590, %sub3A_616 : vector<16xi32>
        %select_n3A_618 = arith.select %and3A_614, %sub3A_617, %div3A_590 : vector<16xi1>, vector<16xi32>
        %mul3A_619 = arith.constant 128 : i32
        %mul3A_620 = vector.broadcast %mul3A_619 : i32 to vector<16xi32>
        %mul3A_621 = arith.muli %select_n3A_618, %mul3A_620 : vector<16xi32>
        %slice3A_622 = vector.extract_strided_slice %mul3A_621 {offsets = [0], sizes = [1], strides = [1]} : vector<16xi32> to vector<1xi32>
        %squeeze3A_623 = vector.extract %slice3A_622[0] : i32 from vector<1xi32>
        %multiple_of3A_624 = tpu.assume_multiple %squeeze3A_623, 128 : i32
        %dma_start3A_625 = arith.constant 0 : i32
        %dma_start3A_626 = tpu.memref_slice %arg2[%dma_start3A_625, %multiple_of3A_624] : memref<32x1000000xf32, #tpu.memory_space<hbm>> -> memref<32x128xf32, #tpu.memory_space<hbm>>
        %dma_start3A_627 = arith.constant 0 : i32
        %dma_start3A_628 = tpu.memref_slice %arg2[%dma_start3A_627, %multiple_of3A_624] : memref<32x1000000xf32, #tpu.memory_space<hbm>> -> memref<32x128xf32, #tpu.memory_space<hbm>>
        tpu.enqueue_dma source(%dma_start3A_628 : memref<32x128xf32, #tpu.memory_space<hbm>>) target(%arg17 : memref<32x128xf32, #tpu.memory_space<vmem>>) target_semaphore(%arg8 : memref<!tpu.dma_semaphore, #tpu.memory_space<semaphore_mem>>)
        %slice3A_629 = vector.extract_strided_slice %mul3A_621 {offsets = [1], sizes = [1], strides = [1]} : vector<16xi32> to vector<1xi32>
        %squeeze3A_630 = vector.extract %slice3A_629[0] : i32 from vector<1xi32>
        %multiple_of3A_631 = tpu.assume_multiple %squeeze3A_630, 128 : i32
        %dma_start3A_632 = arith.constant 0 : i32
        %dma_start3A_633 = tpu.memref_slice %arg2[%dma_start3A_632, %multiple_of3A_631] : memref<32x1000000xf32, #tpu.memory_space<hbm>> -> memref<32x128xf32, #tpu.memory_space<hbm>>
        %dma_start3A_634 = arith.constant 0 : i32
        %dma_start3A_635 = tpu.memref_slice %arg2[%dma_start3A_634, %multiple_of3A_631] : memref<32x1000000xf32, #tpu.memory_space<hbm>> -> memref<32x128xf32, #tpu.memory_space<hbm>>
        tpu.enqueue_dma source(%dma_start3A_635 : memref<32x128xf32, #tpu.memory_space<hbm>>) target(%arg18 : memref<32x128xf32, #tpu.memory_space<vmem>>) target_semaphore(%arg8 : memref<!tpu.dma_semaphore, #tpu.memory_space<semaphore_mem>>)
        %slice3A_636 = vector.extract_strided_slice %mul3A_621 {offsets = [2], sizes = [1], strides = [1]} : vector<16xi32> to vector<1xi32>
        %squeeze3A_637 = vector.extract %slice3A_636[0] : i32 from vector<1xi32>
        %multiple_of3A_638 = tpu.assume_multiple %squeeze3A_637, 128 : i32
        %dma_start3A_639 = arith.constant 0 : i32
        %dma_start3A_640 = tpu.memref_slice %arg2[%dma_start3A_639, %multiple_of3A_638] : memref<32x1000000xf32, #tpu.memory_space<hbm>> -> memref<32x128xf32, #tpu.memory_space<hbm>>
        %dma_start3A_641 = arith.constant 0 : i32
        %dma_start3A_642 = tpu.memref_slice %arg2[%dma_start3A_641, %multiple_of3A_638] : memref<32x1000000xf32, #tpu.memory_space<hbm>> -> memref<32x128xf32, #tpu.memory_space<hbm>>
        tpu.enqueue_dma source(%dma_start3A_642 : memref<32x128xf32, #tpu.memory_space<hbm>>) target(%arg19 : memref<32x128xf32, #tpu.memory_space<vmem>>) target_semaphore(%arg8 : memref<!tpu.dma_semaphore, #tpu.memory_space<semaphore_mem>>)
        %slice3A_643 = vector.extract_strided_slice %mul3A_621 {offsets = [3], sizes = [1], strides = [1]} : vector<16xi32> to vector<1xi32>
        %squeeze3A_644 = vector.extract %slice3A_643[0] : i32 from vector<1xi32>
        %multiple_of3A_645 = tpu.assume_multiple %squeeze3A_644, 128 : i32
        %dma_start3A_646 = arith.constant 0 : i32
        %dma_start3A_647 = tpu.memref_slice %arg2[%dma_start3A_646, %multiple_of3A_645] : memref<32x1000000xf32, #tpu.memory_space<hbm>> -> memref<32x128xf32, #tpu.memory_space<hbm>>
        %dma_start3A_648 = arith.constant 0 : i32
        %dma_start3A_649 = tpu.memref_slice %arg2[%dma_start3A_648, %multiple_of3A_645] : memref<32x1000000xf32, #tpu.memory_space<hbm>> -> memref<32x128xf32, #tpu.memory_space<hbm>>
        tpu.enqueue_dma source(%dma_start3A_649 : memref<32x128xf32, #tpu.memory_space<hbm>>) target(%arg20 : memref<32x128xf32, #tpu.memory_space<vmem>>) target_semaphore(%arg8 : memref<!tpu.dma_semaphore, #tpu.memory_space<semaphore_mem>>)
        %slice3A_650 = vector.extract_strided_slice %mul3A_621 {offsets = [4], sizes = [1], strides = [1]} : vector<16xi32> to vector<1xi32>
        %squeeze3A_651 = vector.extract %slice3A_650[0] : i32 from vector<1xi32>
        %multiple_of3A_652 = tpu.assume_multiple %squeeze3A_651, 128 : i32
        %dma_start3A_653 = arith.constant 0 : i32
        %dma_start3A_654 = tpu.memref_slice %arg2[%dma_start3A_653, %multiple_of3A_652] : memref<32x1000000xf32, #tpu.memory_space<hbm>> -> memref<32x128xf32, #tpu.memory_space<hbm>>
        %dma_start3A_655 = arith.constant 0 : i32
        %dma_start3A_656 = tpu.memref_slice %arg2[%dma_start3A_655, %multiple_of3A_652] : memref<32x1000000xf32, #tpu.memory_space<hbm>> -> memref<32x128xf32, #tpu.memory_space<hbm>>
        tpu.enqueue_dma source(%dma_start3A_656 : memref<32x128xf32, #tpu.memory_space<hbm>>) target(%arg21 : memref<32x128xf32, #tpu.memory_space<vmem>>) target_semaphore(%arg8 : memref<!tpu.dma_semaphore, #tpu.memory_space<semaphore_mem>>)
        %slice3A_657 = vector.extract_strided_slice %mul3A_621 {offsets = [5], sizes = [1], strides = [1]} : vector<16xi32> to vector<1xi32>
        %squeeze3A_658 = vector.extract %slice3A_657[0] : i32 from vector<1xi32>
        %multiple_of3A_659 = tpu.assume_multiple %squeeze3A_658, 128 : i32
        %dma_start3A_660 = arith.constant 0 : i32
        %dma_start3A_661 = tpu.memref_slice %arg2[%dma_start3A_660, %multiple_of3A_659] : memref<32x1000000xf32, #tpu.memory_space<hbm>> -> memref<32x128xf32, #tpu.memory_space<hbm>>
        %dma_start3A_662 = arith.constant 0 : i32
        %dma_start3A_663 = tpu.memref_slice %arg2[%dma_start3A_662, %multiple_of3A_659] : memref<32x1000000xf32, #tpu.memory_space<hbm>> -> memref<32x128xf32, #tpu.memory_space<hbm>>
        tpu.enqueue_dma source(%dma_start3A_663 : memref<32x128xf32, #tpu.memory_space<hbm>>) target(%arg22 : memref<32x128xf32, #tpu.memory_space<vmem>>) target_semaphore(%arg8 : memref<!tpu.dma_semaphore, #tpu.memory_space<semaphore_mem>>)
        %slice3A_664 = vector.extract_strided_slice %mul3A_621 {offsets = [6], sizes = [1], strides = [1]} : vector<16xi32> to vector<1xi32>
        %squeeze3A_665 = vector.extract %slice3A_664[0] : i32 from vector<1xi32>
        %multiple_of3A_666 = tpu.assume_multiple %squeeze3A_665, 128 : i32
        %dma_start3A_667 = arith.constant 0 : i32
        %dma_start3A_668 = tpu.memref_slice %arg2[%dma_start3A_667, %multiple_of3A_666] : memref<32x1000000xf32, #tpu.memory_space<hbm>> -> memref<32x128xf32, #tpu.memory_space<hbm>>
        %dma_start3A_669 = arith.constant 0 : i32
        %dma_start3A_670 = tpu.memref_slice %arg2[%dma_start3A_669, %multiple_of3A_666] : memref<32x1000000xf32, #tpu.memory_space<hbm>> -> memref<32x128xf32, #tpu.memory_space<hbm>>
        tpu.enqueue_dma source(%dma_start3A_670 : memref<32x128xf32, #tpu.memory_space<hbm>>) target(%arg23 : memref<32x128xf32, #tpu.memory_space<vmem>>) target_semaphore(%arg8 : memref<!tpu.dma_semaphore, #tpu.memory_space<semaphore_mem>>)
        %slice3A_671 = vector.extract_strided_slice %mul3A_621 {offsets = [7], sizes = [1], strides = [1]} : vector<16xi32> to vector<1xi32>
        %squeeze3A_672 = vector.extract %slice3A_671[0] : i32 from vector<1xi32>
        %multiple_of3A_673 = tpu.assume_multiple %squeeze3A_672, 128 : i32
        %dma_start3A_674 = arith.constant 0 : i32
        %dma_start3A_675 = tpu.memref_slice %arg2[%dma_start3A_674, %multiple_of3A_673] : memref<32x1000000xf32, #tpu.memory_space<hbm>> -> memref<32x128xf32, #tpu.memory_space<hbm>>
        %dma_start3A_676 = arith.constant 0 : i32
        %dma_start3A_677 = tpu.memref_slice %arg2[%dma_start3A_676, %multiple_of3A_673] : memref<32x1000000xf32, #tpu.memory_space<hbm>> -> memref<32x128xf32, #tpu.memory_space<hbm>>
        tpu.enqueue_dma source(%dma_start3A_677 : memref<32x128xf32, #tpu.memory_space<hbm>>) target(%arg24 : memref<32x128xf32, #tpu.memory_space<vmem>>) target_semaphore(%arg8 : memref<!tpu.dma_semaphore, #tpu.memory_space<semaphore_mem>>)
      } else {
      }
      %dma_wait3A_107 = arith.constant 0 : i32
      %dma_wait3A_108 = arith.constant 0 : i32
      %dma_wait3A_109 = tpu.memref_slice %arg2[%dma_wait3A_107, %dma_wait3A_108] : memref<32x1000000xf32, #tpu.memory_space<hbm>> -> memref<32x128xf32, #tpu.memory_space<hbm>>
      %dma_wait3A_110 = arith.constant 0 : i32
      %dma_wait3A_111 = arith.constant 0 : i32
      %dma_wait3A_112 = tpu.memref_slice %arg2[%dma_wait3A_110, %dma_wait3A_111] : memref<32x1000000xf32, #tpu.memory_space<hbm>> -> memref<32x128xf32, #tpu.memory_space<hbm>>
      tpu.wait_dma2 semaphore(%arg8 : memref<!tpu.dma_semaphore, #tpu.memory_space<semaphore_mem>>) src(%dma_wait3A_112 : memref<32x128xf32, #tpu.memory_space<hbm>>) dst(%arg9 : memref<32x128xf32, #tpu.memory_space<vmem>>)
      %dma_wait3A_113 = arith.constant 0 : i32
      %dma_wait3A_114 = arith.constant 0 : i32
      %dma_wait3A_115 = tpu.memref_slice %arg2[%dma_wait3A_113, %dma_wait3A_114] : memref<32x1000000xf32, #tpu.memory_space<hbm>> -> memref<32x128xf32, #tpu.memory_space<hbm>>
      %dma_wait3A_116 = arith.constant 0 : i32
      %dma_wait3A_117 = arith.constant 0 : i32
      %dma_wait3A_118 = tpu.memref_slice %arg2[%dma_wait3A_116, %dma_wait3A_117] : memref<32x1000000xf32, #tpu.memory_space<hbm>> -> memref<32x128xf32, #tpu.memory_space<hbm>>
      tpu.wait_dma2 semaphore(%arg8 : memref<!tpu.dma_semaphore, #tpu.memory_space<semaphore_mem>>) src(%dma_wait3A_118 : memref<32x128xf32, #tpu.memory_space<hbm>>) dst(%arg9 : memref<32x128xf32, #tpu.memory_space<vmem>>)
      %dma_wait3A_119 = arith.constant 0 : i32
      %dma_wait3A_120 = arith.constant 0 : i32
      %dma_wait3A_121 = tpu.memref_slice %arg2[%dma_wait3A_119, %dma_wait3A_120] : memref<32x1000000xf32, #tpu.memory_space<hbm>> -> memref<32x128xf32, #tpu.memory_space<hbm>>
      %dma_wait3A_122 = arith.constant 0 : i32
      %dma_wait3A_123 = arith.constant 0 : i32
      %dma_wait3A_124 = tpu.memref_slice %arg2[%dma_wait3A_122, %dma_wait3A_123] : memref<32x1000000xf32, #tpu.memory_space<hbm>> -> memref<32x128xf32, #tpu.memory_space<hbm>>
      tpu.wait_dma2 semaphore(%arg8 : memref<!tpu.dma_semaphore, #tpu.memory_space<semaphore_mem>>) src(%dma_wait3A_124 : memref<32x128xf32, #tpu.memory_space<hbm>>) dst(%arg9 : memref<32x128xf32, #tpu.memory_space<vmem>>)
      %dma_wait3A_125 = arith.constant 0 : i32
      %dma_wait3A_126 = arith.constant 0 : i32
      %dma_wait3A_127 = tpu.memref_slice %arg2[%dma_wait3A_125, %dma_wait3A_126] : memref<32x1000000xf32, #tpu.memory_space<hbm>> -> memref<32x128xf32, #tpu.memory_space<hbm>>
      %dma_wait3A_128 = arith.constant 0 : i32
      %dma_wait3A_129 = arith.constant 0 : i32
      %dma_wait3A_130 = tpu.memref_slice %arg2[%dma_wait3A_128, %dma_wait3A_129] : memref<32x1000000xf32, #tpu.memory_space<hbm>> -> memref<32x128xf32, #tpu.memory_space<hbm>>
      tpu.wait_dma2 semaphore(%arg8 : memref<!tpu.dma_semaphore, #tpu.memory_space<semaphore_mem>>) src(%dma_wait3A_130 : memref<32x128xf32, #tpu.memory_space<hbm>>) dst(%arg9 : memref<32x128xf32, #tpu.memory_space<vmem>>)
      %dma_wait3A_131 = arith.constant 0 : i32
      %dma_wait3A_132 = arith.constant 0 : i32
      %dma_wait3A_133 = tpu.memref_slice %arg2[%dma_wait3A_131, %dma_wait3A_132] : memref<32x1000000xf32, #tpu.memory_space<hbm>> -> memref<32x128xf32, #tpu.memory_space<hbm>>
      %dma_wait3A_134 = arith.constant 0 : i32
      %dma_wait3A_135 = arith.constant 0 : i32
      %dma_wait3A_136 = tpu.memref_slice %arg2[%dma_wait3A_134, %dma_wait3A_135] : memref<32x1000000xf32, #tpu.memory_space<hbm>> -> memref<32x128xf32, #tpu.memory_space<hbm>>
      tpu.wait_dma2 semaphore(%arg8 : memref<!tpu.dma_semaphore, #tpu.memory_space<semaphore_mem>>) src(%dma_wait3A_136 : memref<32x128xf32, #tpu.memory_space<hbm>>) dst(%arg9 : memref<32x128xf32, #tpu.memory_space<vmem>>)
      %dma_wait3A_137 = arith.constant 0 : i32
      %dma_wait3A_138 = arith.constant 0 : i32
      %dma_wait3A_139 = tpu.memref_slice %arg2[%dma_wait3A_137, %dma_wait3A_138] : memref<32x1000000xf32, #tpu.memory_space<hbm>> -> memref<32x128xf32, #tpu.memory_space<hbm>>
      %dma_wait3A_140 = arith.constant 0 : i32
      %dma_wait3A_141 = arith.constant 0 : i32
      %dma_wait3A_142 = tpu.memref_slice %arg2[%dma_wait3A_140, %dma_wait3A_141] : memref<32x1000000xf32, #tpu.memory_space<hbm>> -> memref<32x128xf32, #tpu.memory_space<hbm>>
      tpu.wait_dma2 semaphore(%arg8 : memref<!tpu.dma_semaphore, #tpu.memory_space<semaphore_mem>>) src(%dma_wait3A_142 : memref<32x128xf32, #tpu.memory_space<hbm>>) dst(%arg9 : memref<32x128xf32, #tpu.memory_space<vmem>>)
      %dma_wait3A_143 = arith.constant 0 : i32
      %dma_wait3A_144 = arith.constant 0 : i32
      %dma_wait3A_145 = tpu.memref_slice %arg2[%dma_wait3A_143, %dma_wait3A_144] : memref<32x1000000xf32, #tpu.memory_space<hbm>> -> memref<32x128xf32, #tpu.memory_space<hbm>>
      %dma_wait3A_146 = arith.constant 0 : i32
      %dma_wait3A_147 = arith.constant 0 : i32
      %dma_wait3A_148 = tpu.memref_slice %arg2[%dma_wait3A_146, %dma_wait3A_147] : memref<32x1000000xf32, #tpu.memory_space<hbm>> -> memref<32x128xf32, #tpu.memory_space<hbm>>
      tpu.wait_dma2 semaphore(%arg8 : memref<!tpu.dma_semaphore, #tpu.memory_space<semaphore_mem>>) src(%dma_wait3A_148 : memref<32x128xf32, #tpu.memory_space<hbm>>) dst(%arg9 : memref<32x128xf32, #tpu.memory_space<vmem>>)
      %dma_wait3A_149 = arith.constant 0 : i32
      %dma_wait3A_150 = arith.constant 0 : i32
      %dma_wait3A_151 = tpu.memref_slice %arg2[%dma_wait3A_149, %dma_wait3A_150] : memref<32x1000000xf32, #tpu.memory_space<hbm>> -> memref<32x128xf32, #tpu.memory_space<hbm>>
      %dma_wait3A_152 = arith.constant 0 : i32
      %dma_wait3A_153 = arith.constant 0 : i32
      %dma_wait3A_154 = tpu.memref_slice %arg2[%dma_wait3A_152, %dma_wait3A_153] : memref<32x1000000xf32, #tpu.memory_space<hbm>> -> memref<32x128xf32, #tpu.memory_space<hbm>>
      tpu.wait_dma2 semaphore(%arg8 : memref<!tpu.dma_semaphore, #tpu.memory_space<semaphore_mem>>) src(%dma_wait3A_154 : memref<32x128xf32, #tpu.memory_space<hbm>>) dst(%arg9 : memref<32x128xf32, #tpu.memory_space<vmem>>)
      %add3A_155 = arith.constant 0 : i32
      %add3A_156 = arith.addi %mul3A_100, %add3A_155 : i32
      %mul3A_157 = arith.constant 8 : i32
      %mul3A_158 = arith.muli %add3A_156, %mul3A_157 : i32
      %get3A_159 = arith.index_cast %mul3A_158 : i32 to index
      %get3A_160 = tpu.vector_load %arg5[%get3A_159] {strides = array<i32>} : memref<528xi32, #tpu.memory_space<vmem>>, vector<16xi32>,
      %and3A_161 = arith.constant 127 : i32
      %and3A_162 = vector.broadcast %and3A_161 : i32 to vector<16xi32>
      %and3A_163 = arith.andi %get3A_160, %and3A_162 : vector<16xi32>
      %slice3A_164 = vector.extract_strided_slice %and3A_163 {offsets = [0], sizes = [1], strides = [1]} : vector<16xi32> to vector<1xi32>
      %squeeze3A_165 = vector.extract %slice3A_164[0] : i32 from vector<1xi32>
      %broadcast_in_dim3A = vector.broadcast %squeeze3A_165 : i32 to vector<16xi32>
      %mul3A_166 = arith.constant 8 : i32
      %mul3A_167 = arith.muli %add3A_156, %mul3A_166 : i32
      %add3A_168 = arith.constant 0 : i32
      %add3A_169 = arith.addi %mul3A_167, %add3A_168 : i32
      %broadcast_in_dim3A_170 = vector.broadcast %add3A_169 : i32 to vector<16xi32>
      %add3A_171 = arith.constant 0 : i32
      %add3A_172 = vector.broadcast %add3A_171 : i32 to vector<16xi32>
      %add3A_173 = arith.addi %add3A_172, %iota3A : vector<16xi32>
      %gather3A = tpu.vector_load_idx %arg9[%add3A_173, %broadcast_in_dim3A] : memref<32x128xf32, #tpu.memory_space<vmem>>[vector<16xi32>, vector<16xi32>], vector<16xf32>,
      %add3A_174 = arith.constant 0 : i32
      %add3A_175 = vector.broadcast %add3A_174 : i32 to vector<16xi32>
      %add3A_176 = arith.addi %add3A_175, %iota3A : vector<16xi32>
      tpu.vector_store_idx %arg6[%add3A_176, %broadcast_in_dim3A_170], %gather3A : memref<32x512xf32, #tpu.memory_space<vmem>>[vector<16xi32>, vector<16xi32>], vector<16xf32>,
      %add3A_177 = arith.constant 16 : i32
      %add3A_178 = vector.broadcast %add3A_177 : i32 to vector<16xi32>
      %add3A_179 = arith.addi %add3A_178, %iota3A : vector<16xi32>
      %gather3A_180 = tpu.vector_load_idx %arg9[%add3A_179, %broadcast_in_dim3A] : memref<32x128xf32, #tpu.memory_space<vmem>>[vector<16xi32>, vector<16xi32>], vector<16xf32>,
      %add3A_181 = arith.constant 16 : i32
      %add3A_182 = vector.broadcast %add3A_181 : i32 to vector<16xi32>
      %add3A_183 = arith.addi %add3A_182, %iota3A : vector<16xi32>
      tpu.vector_store_idx %arg6[%add3A_183, %broadcast_in_dim3A_170], %gather3A_180 : memref<32x512xf32, #tpu.memory_space<vmem>>[vector<16xi32>, vector<16xi32>], vector<16xf32>,
      %slice3A_184 = vector.extract_strided_slice %and3A_163 {offsets = [1], sizes = [1], strides = [1]} : vector<16xi32> to vector<1xi32>
      %squeeze3A_185 = vector.extract %slice3A_184[0] : i32 from vector<1xi32>
      %broadcast_in_dim3A_186 = vector.broadcast %squeeze3A_185 : i32 to vector<16xi32>
      %mul3A_187 = arith.constant 8 : i32
      %mul3A_188 = arith.muli %add3A_156, %mul3A_187 : i32
      %add3A_189 = arith.constant 1 : i32
      %add3A_190 = arith.addi %mul3A_188, %add3A_189 : i32
      %broadcast_in_dim3A_191 = vector.broadcast %add3A_190 : i32 to vector<16xi32>
      %add3A_192 = arith.constant 0 : i32
      %add3A_193 = vector.broadcast %add3A_192 : i32 to vector<16xi32>
      %add3A_194 = arith.addi %add3A_193, %iota3A : vector<16xi32>
      %gather3A_195 = tpu.vector_load_idx %arg10[%add3A_194, %broadcast_in_dim3A_186] : memref<32x128xf32, #tpu.memory_space<vmem>>[vector<16xi32>, vector<16xi32>], vector<16xf32>,
      %add3A_196 = arith.constant 0 : i32
      %add3A_197 = vector.broadcast %add3A_196 : i32 to vector<16xi32>
      %add3A_198 = arith.addi %add3A_197, %iota3A : vector<16xi32>
      tpu.vector_store_idx %arg6[%add3A_198, %broadcast_in_dim3A_191], %gather3A_195 : memref<32x512xf32, #tpu.memory_space<vmem>>[vector<16xi32>, vector<16xi32>], vector<16xf32>,
      %add3A_199 = arith.constant 16 : i32
      %add3A_200 = vector.broadcast %add3A_199 : i32 to vector<16xi32>
      %add3A_201 = arith.addi %add3A_200, %iota3A : vector<16xi32>
      %gather3A_202 = tpu.vector_load_idx %arg10[%add3A_201, %broadcast_in_dim3A_186] : memref<32x128xf32, #tpu.memory_space<vmem>>[vector<16xi32>, vector<16xi32>], vector<16xf32>,
      %add3A_203 = arith.constant 16 : i32
      %add3A_204 = vector.broadcast %add3A_203 : i32 to vector<16xi32>
      %add3A_205 = arith.addi %add3A_204, %iota3A : vector<16xi32>
      tpu.vector_store_idx %arg6[%add3A_205, %broadcast_in_dim3A_191], %gather3A_202 : memref<32x512xf32, #tpu.memory_space<vmem>>[vector<16xi32>, vector<16xi32>], vector<16xf32>,
      %slice3A_206 = vector.extract_strided_slice %and3A_163 {offsets = [2], sizes = [1], strides = [1]} : vector<16xi32> to vector<1xi32>
      %squeeze3A_207 = vector.extract %slice3A_206[0] : i32 from vector<1xi32>
      %broadcast_in_dim3A_208 = vector.broadcast %squeeze3A_207 : i32 to vector<16xi32>
      %mul3A_209 = arith.constant 8 : i32
      %mul3A_210 = arith.muli %add3A_156, %mul3A_209 : i32
      %add3A_211 = arith.constant 2 : i32
      %add3A_212 = arith.addi %mul3A_210, %add3A_211 : i32
      %broadcast_in_dim3A_213 = vector.broadcast %add3A_212 : i32 to vector<16xi32>
      %add3A_214 = arith.constant 0 : i32
      %add3A_215 = vector.broadcast %add3A_214 : i32 to vector<16xi32>
      %add3A_216 = arith.addi %add3A_215, %iota3A : vector<16xi32>
      %gather3A_217 = tpu.vector_load_idx %arg11[%add3A_216, %broadcast_in_dim3A_208] : memref<32x128xf32, #tpu.memory_space<vmem>>[vector<16xi32>, vector<16xi32>], vector<16xf32>,
      %add3A_218 = arith.constant 0 : i32
      %add3A_219 = vector.broadcast %add3A_218 : i32 to vector<16xi32>
      %add3A_220 = arith.addi %add3A_219, %iota3A : vector<16xi32>
      tpu.vector_store_idx %arg6[%add3A_220, %broadcast_in_dim3A_213], %gather3A_217 : memref<32x512xf32, #tpu.memory_space<vmem>>[vector<16xi32>, vector<16xi32>], vector<16xf32>,
      %add3A_221 = arith.constant 16 : i32
      %add3A_222 = vector.broadcast %add3A_221 : i32 to vector<16xi32>
      %add3A_223 = arith.addi %add3A_222, %iota3A : vector<16xi32>
      %gather3A_224 = tpu.vector_load_idx %arg11[%add3A_223, %broadcast_in_dim3A_208] : memref<32x128xf32, #tpu.memory_space<vmem>>[vector<16xi32>, vector<16xi32>], vector<16xf32>,
      %add3A_225 = arith.constant 16 : i32
      %add3A_226 = vector.broadcast %add3A_225 : i32 to vector<16xi32>
      %add3A_227 = arith.addi %add3A_226, %iota3A : vector<16xi32>
      tpu.vector_store_idx %arg6[%add3A_227, %broadcast_in_dim3A_213], %gather3A_224 : memref<32x512xf32, #tpu.memory_space<vmem>>[vector<16xi32>, vector<16xi32>], vector<16xf32>,
      %slice3A_228 = vector.extract_strided_slice %and3A_163 {offsets = [3], sizes = [1], strides = [1]} : vector<16xi32> to vector<1xi32>
      %squeeze3A_229 = vector.extract %slice3A_228[0] : i32 from vector<1xi32>
      %broadcast_in_dim3A_230 = vector.broadcast %squeeze3A_229 : i32 to vector<16xi32>
      %mul3A_231 = arith.constant 8 : i32
      %mul3A_232 = arith.muli %add3A_156, %mul3A_231 : i32
      %add3A_233 = arith.constant 3 : i32
      %add3A_234 = arith.addi %mul3A_232, %add3A_233 : i32
      %broadcast_in_dim3A_235 = vector.broadcast %add3A_234 : i32 to vector<16xi32>
      %add3A_236 = arith.constant 0 : i32
      %add3A_237 = vector.broadcast %add3A_236 : i32 to vector<16xi32>
      %add3A_238 = arith.addi %add3A_237, %iota3A : vector<16xi32>
      %gather3A_239 = tpu.vector_load_idx %arg12[%add3A_238, %broadcast_in_dim3A_230] : memref<32x128xf32, #tpu.memory_space<vmem>>[vector<16xi32>, vector<16xi32>], vector<16xf32>,
      %add3A_240 = arith.constant 0 : i32
      %add3A_241 = vector.broadcast %add3A_240 : i32 to vector<16xi32>
      %add3A_242 = arith.addi %add3A_241, %iota3A : vector<16xi32>
      tpu.vector_store_idx %arg6[%add3A_242, %broadcast_in_dim3A_235], %gather3A_239 : memref<32x512xf32, #tpu.memory_space<vmem>>[vector<16xi32>, vector<16xi32>], vector<16xf32>,
      %add3A_243 = arith.constant 16 : i32
      %add3A_244 = vector.broadcast %add3A_243 : i32 to vector<16xi32>
      %add3A_245 = arith.addi %add3A_244, %iota3A : vector<16xi32>
      %gather3A_246 = tpu.vector_load_idx %arg12[%add3A_245, %broadcast_in_dim3A_230] : memref<32x128xf32, #tpu.memory_space<vmem>>[vector<16xi32>, vector<16xi32>], vector<16xf32>,
      %add3A_247 = arith.constant 16 : i32
      %add3A_248 = vector.broadcast %add3A_247 : i32 to vector<16xi32>
      %add3A_249 = arith.addi %add3A_248, %iota3A : vector<16xi32>
      tpu.vector_store_idx %arg6[%add3A_249, %broadcast_in_dim3A_235], %gather3A_246 : memref<32x512xf32, #tpu.memory_space<vmem>>[vector<16xi32>, vector<16xi32>], vector<16xf32>,
      %slice3A_250 = vector.extract_strided_slice %and3A_163 {offsets = [4], sizes = [1], strides = [1]} : vector<16xi32> to vector<1xi32>
      %squeeze3A_251 = vector.extract %slice3A_250[0] : i32 from vector<1xi32>
      %broadcast_in_dim3A_252 = vector.broadcast %squeeze3A_251 : i32 to vector<16xi32>
      %mul3A_253 = arith.constant 8 : i32
      %mul3A_254 = arith.muli %add3A_156, %mul3A_253 : i32
      %add3A_255 = arith.constant 4 : i32
      %add3A_256 = arith.addi %mul3A_254, %add3A_255 : i32
      %broadcast_in_dim3A_257 = vector.broadcast %add3A_256 : i32 to vector<16xi32>
      %add3A_258 = arith.constant 0 : i32
      %add3A_259 = vector.broadcast %add3A_258 : i32 to vector<16xi32>
      %add3A_260 = arith.addi %add3A_259, %iota3A : vector<16xi32>
      %gather3A_261 = tpu.vector_load_idx %arg13[%add3A_260, %broadcast_in_dim3A_252] : memref<32x128xf32, #tpu.memory_space<vmem>>[vector<16xi32>, vector<16xi32>], vector<16xf32>,
      %add3A_262 = arith.constant 0 : i32
      %add3A_263 = vector.broadcast %add3A_262 : i32 to vector<16xi32>
      %add3A_264 = arith.addi %add3A_263, %iota3A : vector<16xi32>
      tpu.vector_store_idx %arg6[%add3A_264, %broadcast_in_dim3A_257], %gather3A_261 : memref<32x512xf32, #tpu.memory_space<vmem>>[vector<16xi32>, vector<16xi32>], vector<16xf32>,
      %add3A_265 = arith.constant 16 : i32
      %add3A_266 = vector.broadcast %add3A_265 : i32 to vector<16xi32>
      %add3A_267 = arith.addi %add3A_266, %iota3A : vector<16xi32>
      %gather3A_268 = tpu.vector_load_idx %arg13[%add3A_267, %broadcast_in_dim3A_252] : memref<32x128xf32, #tpu.memory_space<vmem>>[vector<16xi32>, vector<16xi32>], vector<16xf32>,
      %add3A_269 = arith.constant 16 : i32
      %add3A_270 = vector.broadcast %add3A_269 : i32 to vector<16xi32>
      %add3A_271 = arith.addi %add3A_270, %iota3A : vector<16xi32>
      tpu.vector_store_idx %arg6[%add3A_271, %broadcast_in_dim3A_257], %gather3A_268 : memref<32x512xf32, #tpu.memory_space<vmem>>[vector<16xi32>, vector<16xi32>], vector<16xf32>,
      %slice3A_272 = vector.extract_strided_slice %and3A_163 {offsets = [5], sizes = [1], strides = [1]} : vector<16xi32> to vector<1xi32>
      %squeeze3A_273 = vector.extract %slice3A_272[0] : i32 from vector<1xi32>
      %broadcast_in_dim3A_274 = vector.broadcast %squeeze3A_273 : i32 to vector<16xi32>
      %mul3A_275 = arith.constant 8 : i32
      %mul3A_276 = arith.muli %add3A_156, %mul3A_275 : i32
      %add3A_277 = arith.constant 5 : i32
      %add3A_278 = arith.addi %mul3A_276, %add3A_277 : i32
      %broadcast_in_dim3A_279 = vector.broadcast %add3A_278 : i32 to vector<16xi32>
      %add3A_280 = arith.constant 0 : i32
      %add3A_281 = vector.broadcast %add3A_280 : i32 to vector<16xi32>
      %add3A_282 = arith.addi %add3A_281, %iota3A : vector<16xi32>
      %gather3A_283 = tpu.vector_load_idx %arg14[%add3A_282, %broadcast_in_dim3A_274] : memref<32x128xf32, #tpu.memory_space<vmem>>[vector<16xi32>, vector<16xi32>], vector<16xf32>,
      %add3A_284 = arith.constant 0 : i32
      %add3A_285 = vector.broadcast %add3A_284 : i32 to vector<16xi32>
      %add3A_286 = arith.addi %add3A_285, %iota3A : vector<16xi32>
      tpu.vector_store_idx %arg6[%add3A_286, %broadcast_in_dim3A_279], %gather3A_283 : memref<32x512xf32, #tpu.memory_space<vmem>>[vector<16xi32>, vector<16xi32>], vector<16xf32>,
      %add3A_287 = arith.constant 16 : i32
      %add3A_288 = vector.broadcast %add3A_287 : i32 to vector<16xi32>
      %add3A_289 = arith.addi %add3A_288, %iota3A : vector<16xi32>
      %gather3A_290 = tpu.vector_load_idx %arg14[%add3A_289, %broadcast_in_dim3A_274] : memref<32x128xf32, #tpu.memory_space<vmem>>[vector<16xi32>, vector<16xi32>], vector<16xf32>,
      %add3A_291 = arith.constant 16 : i32
      %add3A_292 = vector.broadcast %add3A_291 : i32 to vector<16xi32>
      %add3A_293 = arith.addi %add3A_292, %iota3A : vector<16xi32>
      tpu.vector_store_idx %arg6[%add3A_293, %broadcast_in_dim3A_279], %gather3A_290 : memref<32x512xf32, #tpu.memory_space<vmem>>[vector<16xi32>, vector<16xi32>], vector<16xf32>,
      %slice3A_294 = vector.extract_strided_slice %and3A_163 {offsets = [6], sizes = [1], strides = [1]} : vector<16xi32> to vector<1xi32>
      %squeeze3A_295 = vector.extract %slice3A_294[0] : i32 from vector<1xi32>
      %broadcast_in_dim3A_296 = vector.broadcast %squeeze3A_295 : i32 to vector<16xi32>
      %mul3A_297 = arith.constant 8 : i32
      %mul3A_298 = arith.muli %add3A_156, %mul3A_297 : i32
      %add3A_299 = arith.constant 6 : i32
      %add3A_300 = arith.addi %mul3A_298, %add3A_299 : i32
      %broadcast_in_dim3A_301 = vector.broadcast %add3A_300 : i32 to vector<16xi32>
      %add3A_302 = arith.constant 0 : i32
      %add3A_303 = vector.broadcast %add3A_302 : i32 to vector<16xi32>
      %add3A_304 = arith.addi %add3A_303, %iota3A : vector<16xi32>
      %gather3A_305 = tpu.vector_load_idx %arg15[%add3A_304, %broadcast_in_dim3A_296] : memref<32x128xf32, #tpu.memory_space<vmem>>[vector<16xi32>, vector<16xi32>], vector<16xf32>,
      %add3A_306 = arith.constant 0 : i32
      %add3A_307 = vector.broadcast %add3A_306 : i32 to vector<16xi32>
      %add3A_308 = arith.addi %add3A_307, %iota3A : vector<16xi32>
      tpu.vector_store_idx %arg6[%add3A_308, %broadcast_in_dim3A_301], %gather3A_305 : memref<32x512xf32, #tpu.memory_space<vmem>>[vector<16xi32>, vector<16xi32>], vector<16xf32>,
      %add3A_309 = arith.constant 16 : i32
      %add3A_310 = vector.broadcast %add3A_309 : i32 to vector<16xi32>
      %add3A_311 = arith.addi %add3A_310, %iota3A : vector<16xi32>
      %gather3A_312 = tpu.vector_load_idx %arg15[%add3A_311, %broadcast_in_dim3A_296] : memref<32x128xf32, #tpu.memory_space<vmem>>[vector<16xi32>, vector<16xi32>], vector<16xf32>,
      %add3A_313 = arith.constant 16 : i32
      %add3A_314 = vector.broadcast %add3A_313 : i32 to vector<16xi32>
      %add3A_315 = arith.addi %add3A_314, %iota3A : vector<16xi32>
      tpu.vector_store_idx %arg6[%add3A_315, %broadcast_in_dim3A_301], %gather3A_312 : memref<32x512xf32, #tpu.memory_space<vmem>>[vector<16xi32>, vector<16xi32>], vector<16xf32>,
      %slice3A_316 = vector.extract_strided_slice %and3A_163 {offsets = [7], sizes = [1], strides = [1]} : vector<16xi32> to vector<1xi32>
      %squeeze3A_317 = vector.extract %slice3A_316[0] : i32 from vector<1xi32>
      %broadcast_in_dim3A_318 = vector.broadcast %squeeze3A_317 : i32 to vector<16xi32>
      %mul3A_319 = arith.constant 8 : i32
      %mul3A_320 = arith.muli %add3A_156, %mul3A_319 : i32
      %add3A_321 = arith.constant 7 : i32
      %add3A_322 = arith.addi %mul3A_320, %add3A_321 : i32
      %broadcast_in_dim3A_323 = vector.broadcast %add3A_322 : i32 to vector<16xi32>
      %add3A_324 = arith.constant 0 : i32
      %add3A_325 = vector.broadcast %add3A_324 : i32 to vector<16xi32>
      %add3A_326 = arith.addi %add3A_325, %iota3A : vector<16xi32>
      %gather3A_327 = tpu.vector_load_idx %arg16[%add3A_326, %broadcast_in_dim3A_318] : memref<32x128xf32, #tpu.memory_space<vmem>>[vector<16xi32>, vector<16xi32>], vector<16xf32>,
      %add3A_328 = arith.constant 0 : i32
      %add3A_329 = vector.broadcast %add3A_328 : i32 to vector<16xi32>
      %add3A_330 = arith.addi %add3A_329, %iota3A : vector<16xi32>
      tpu.vector_store_idx %arg6[%add3A_330, %broadcast_in_dim3A_323], %gather3A_327 : memref<32x512xf32, #tpu.memory_space<vmem>>[vector<16xi32>, vector<16xi32>], vector<16xf32>,
      %add3A_331 = arith.constant 16 : i32
      %add3A_332 = vector.broadcast %add3A_331 : i32 to vector<16xi32>
      %add3A_333 = arith.addi %add3A_332, %iota3A : vector<16xi32>
      %gather3A_334 = tpu.vector_load_idx %arg16[%add3A_333, %broadcast_in_dim3A_318] : memref<32x128xf32, #tpu.memory_space<vmem>>[vector<16xi32>, vector<16xi32>], vector<16xf32>,
      %add3A_335 = arith.constant 16 : i32
      %add3A_336 = vector.broadcast %add3A_335 : i32 to vector<16xi32>
      %add3A_337 = arith.addi %add3A_336, %iota3A : vector<16xi32>
      tpu.vector_store_idx %arg6[%add3A_337, %broadcast_in_dim3A_323], %gather3A_334 : memref<32x512xf32, #tpu.memory_space<vmem>>[vector<16xi32>, vector<16xi32>], vector<16xf32>,
      %add3A_338 = arith.constant 1 : i32
      %add3A_339 = arith.addi %mul3A_100, %add3A_338 : i32
      %add3A_340 = arith.constant 1 : i32
      %add3A_341 = arith.addi %add3A_339, %add3A_340 : i32
      %lt3A_342 = arith.constant 64 : i32
      %lt3A_343 = arith.cmpi slt, %add3A_341, %lt3A_342 : i32
      %convert_element_type3A_344 = arith.extui %lt3A_343 : i1 to i32
      %cond3A_345 = arith.constant 0 : i32
      %cond3A_346 = arith.cmpi ne, %convert_element_type3A_344, %cond3A_345 : i32
      scf.if %cond3A_346 {
        %add3A_580 = arith.constant 1 : i32
        %add3A_581 = arith.addi %mul3A_100, %add3A_580 : i32
        %add3A_582 = arith.constant 1 : i32
        %add3A_583 = arith.addi %add3A_581, %add3A_582 : i32
        %mul3A_584 = arith.constant 8 : i32
        %mul3A_585 = arith.muli %add3A_583, %mul3A_584 : i32
        %get3A_586 = arith.index_cast %mul3A_585 : i32 to index
        %get3A_587 = tpu.vector_load %arg5[%get3A_586] {strides = array<i32>} : memref<528xi32, #tpu.memory_space<vmem>>, vector<16xi32>,
        %jit3A_588 = arith.constant 128 : i32
        %div3A_589 = vector.broadcast %jit3A_588 : i32 to vector<16xi32>
        %div3A_590 = arith.divsi %get3A_587, %div3A_589 : vector<16xi32>
        %sign3A_591 = arith.constant 0 : i32
        %sign3A_592 = vector.broadcast %sign3A_591 : i32 to vector<16xi32>
        %sign3A_593 = arith.cmpi sgt, %get3A_587, %sign3A_592 : vector<16xi32>
        %sign3A_594 = arith.extui %sign3A_593 : vector<16xi1> to vector<16xi32>
        %sign3A_595 = arith.constant 0 : i32
        %sign3A_596 = vector.broadcast %sign3A_595 : i32 to vector<16xi32>
        %sign3A_597 = arith.cmpi slt, %get3A_587, %sign3A_596 : vector<16xi32>
        %sign3A_598 = arith.extui %sign3A_597 : vector<16xi1> to vector<16xi32>
        %sign3A_599 = arith.subi %sign3A_594, %sign3A_598 : vector<16xi32>
        %sign3A_600 = arith.constant 0 : i32
        %sign3A_601 = arith.cmpi sgt, %jit3A_588, %sign3A_600 : i32
        %sign3A_602 = arith.extui %sign3A_601 : i1 to i32
        %sign3A_603 = arith.constant 0 : i32
        %sign3A_604 = arith.cmpi slt, %jit3A_588, %sign3A_603 : i32
        %sign3A_605 = arith.extui %sign3A_604 : i1 to i32
        %sign3A_606 = arith.subi %sign3A_602, %sign3A_605 : i32
        %ne3A_607 = vector.broadcast %sign3A_606 : i32 to vector<16xi32>
        %ne3A_608 = arith.cmpi ne, %sign3A_599, %ne3A_607 : vector<16xi32>
        %rem3A_609 = vector.broadcast %jit3A_588 : i32 to vector<16xi32>
        %rem3A_610 = arith.remsi %get3A_587, %rem3A_609 : vector<16xi32>
        %ne3A_611 = arith.constant 0 : i32
        %ne3A_612 = vector.broadcast %ne3A_611 : i32 to vector<16xi32>
        %ne3A_613 = arith.cmpi ne, %rem3A_610, %ne3A_612 : vector<16xi32>
        %and3A_614 = arith.andi %ne3A_608, %ne3A_613 : vector<16xi1>
        %sub3A_615 = arith.constant 1 : i32
        %sub3A_616 = vector.broadcast %sub3A_615 : i32 to vector<16xi32>
        %sub3A_617 = arith.subi %div3A_590, %sub3A_616 : vector<16xi32>
        %select_n3A_618 = arith.select %and3A_614, %sub3A_617, %div3A_590 : vector<16xi1>, vector<16xi32>
        %mul3A_619 = arith.constant 128 : i32
        %mul3A_620 = vector.broadcast %mul3A_619 : i32 to vector<16xi32>
        %mul3A_621 = arith.muli %select_n3A_618, %mul3A_620 : vector<16xi32>
        %slice3A_622 = vector.extract_strided_slice %mul3A_621 {offsets = [0], sizes = [1], strides = [1]} : vector<16xi32> to vector<1xi32>
        %squeeze3A_623 = vector.extract %slice3A_622[0] : i32 from vector<1xi32>
        %multiple_of3A_624 = tpu.assume_multiple %squeeze3A_623, 128 : i32
        %dma_start3A_625 = arith.constant 0 : i32
        %dma_start3A_626 = tpu.memref_slice %arg2[%dma_start3A_625, %multiple_of3A_624] : memref<32x1000000xf32, #tpu.memory_space<hbm>> -> memref<32x128xf32, #tpu.memory_space<hbm>>
        %dma_start3A_627 = arith.constant 0 : i32
        %dma_start3A_628 = tpu.memref_slice %arg2[%dma_start3A_627, %multiple_of3A_624] : memref<32x1000000xf32, #tpu.memory_space<hbm>> -> memref<32x128xf32, #tpu.memory_space<hbm>>
        tpu.enqueue_dma source(%dma_start3A_628 : memref<32x128xf32, #tpu.memory_space<hbm>>) target(%arg9 : memref<32x128xf32, #tpu.memory_space<vmem>>) target_semaphore(%arg8 : memref<!tpu.dma_semaphore, #tpu.memory_space<semaphore_mem>>)
        %slice3A_629 = vector.extract_strided_slice %mul3A_621 {offsets = [1], sizes = [1], strides = [1]} : vector<16xi32> to vector<1xi32>
        %squeeze3A_630 = vector.extract %slice3A_629[0] : i32 from vector<1xi32>
        %multiple_of3A_631 = tpu.assume_multiple %squeeze3A_630, 128 : i32
        %dma_start3A_632 = arith.constant 0 : i32
        %dma_start3A_633 = tpu.memref_slice %arg2[%dma_start3A_632, %multiple_of3A_631] : memref<32x1000000xf32, #tpu.memory_space<hbm>> -> memref<32x128xf32, #tpu.memory_space<hbm>>
        %dma_start3A_634 = arith.constant 0 : i32
        %dma_start3A_635 = tpu.memref_slice %arg2[%dma_start3A_634, %multiple_of3A_631] : memref<32x1000000xf32, #tpu.memory_space<hbm>> -> memref<32x128xf32, #tpu.memory_space<hbm>>
        tpu.enqueue_dma source(%dma_start3A_635 : memref<32x128xf32, #tpu.memory_space<hbm>>) target(%arg10 : memref<32x128xf32, #tpu.memory_space<vmem>>) target_semaphore(%arg8 : memref<!tpu.dma_semaphore, #tpu.memory_space<semaphore_mem>>)
        %slice3A_636 = vector.extract_strided_slice %mul3A_621 {offsets = [2], sizes = [1], strides = [1]} : vector<16xi32> to vector<1xi32>
        %squeeze3A_637 = vector.extract %slice3A_636[0] : i32 from vector<1xi32>
        %multiple_of3A_638 = tpu.assume_multiple %squeeze3A_637, 128 : i32
        %dma_start3A_639 = arith.constant 0 : i32
        %dma_start3A_640 = tpu.memref_slice %arg2[%dma_start3A_639, %multiple_of3A_638] : memref<32x1000000xf32, #tpu.memory_space<hbm>> -> memref<32x128xf32, #tpu.memory_space<hbm>>
        %dma_start3A_641 = arith.constant 0 : i32
        %dma_start3A_642 = tpu.memref_slice %arg2[%dma_start3A_641, %multiple_of3A_638] : memref<32x1000000xf32, #tpu.memory_space<hbm>> -> memref<32x128xf32, #tpu.memory_space<hbm>>
        tpu.enqueue_dma source(%dma_start3A_642 : memref<32x128xf32, #tpu.memory_space<hbm>>) target(%arg11 : memref<32x128xf32, #tpu.memory_space<vmem>>) target_semaphore(%arg8 : memref<!tpu.dma_semaphore, #tpu.memory_space<semaphore_mem>>)
        %slice3A_643 = vector.extract_strided_slice %mul3A_621 {offsets = [3], sizes = [1], strides = [1]} : vector<16xi32> to vector<1xi32>
        %squeeze3A_644 = vector.extract %slice3A_643[0] : i32 from vector<1xi32>
        %multiple_of3A_645 = tpu.assume_multiple %squeeze3A_644, 128 : i32
        %dma_start3A_646 = arith.constant 0 : i32
        %dma_start3A_647 = tpu.memref_slice %arg2[%dma_start3A_646, %multiple_of3A_645] : memref<32x1000000xf32, #tpu.memory_space<hbm>> -> memref<32x128xf32, #tpu.memory_space<hbm>>
        %dma_start3A_648 = arith.constant 0 : i32
        %dma_start3A_649 = tpu.memref_slice %arg2[%dma_start3A_648, %multiple_of3A_645] : memref<32x1000000xf32, #tpu.memory_space<hbm>> -> memref<32x128xf32, #tpu.memory_space<hbm>>
        tpu.enqueue_dma source(%dma_start3A_649 : memref<32x128xf32, #tpu.memory_space<hbm>>) target(%arg12 : memref<32x128xf32, #tpu.memory_space<vmem>>) target_semaphore(%arg8 : memref<!tpu.dma_semaphore, #tpu.memory_space<semaphore_mem>>)
        %slice3A_650 = vector.extract_strided_slice %mul3A_621 {offsets = [4], sizes = [1], strides = [1]} : vector<16xi32> to vector<1xi32>
        %squeeze3A_651 = vector.extract %slice3A_650[0] : i32 from vector<1xi32>
        %multiple_of3A_652 = tpu.assume_multiple %squeeze3A_651, 128 : i32
        %dma_start3A_653 = arith.constant 0 : i32
        %dma_start3A_654 = tpu.memref_slice %arg2[%dma_start3A_653, %multiple_of3A_652] : memref<32x1000000xf32, #tpu.memory_space<hbm>> -> memref<32x128xf32, #tpu.memory_space<hbm>>
        %dma_start3A_655 = arith.constant 0 : i32
        %dma_start3A_656 = tpu.memref_slice %arg2[%dma_start3A_655, %multiple_of3A_652] : memref<32x1000000xf32, #tpu.memory_space<hbm>> -> memref<32x128xf32, #tpu.memory_space<hbm>>
        tpu.enqueue_dma source(%dma_start3A_656 : memref<32x128xf32, #tpu.memory_space<hbm>>) target(%arg13 : memref<32x128xf32, #tpu.memory_space<vmem>>) target_semaphore(%arg8 : memref<!tpu.dma_semaphore, #tpu.memory_space<semaphore_mem>>)
        %slice3A_657 = vector.extract_strided_slice %mul3A_621 {offsets = [5], sizes = [1], strides = [1]} : vector<16xi32> to vector<1xi32>
        %squeeze3A_658 = vector.extract %slice3A_657[0] : i32 from vector<1xi32>
        %multiple_of3A_659 = tpu.assume_multiple %squeeze3A_658, 128 : i32
        %dma_start3A_660 = arith.constant 0 : i32
        %dma_start3A_661 = tpu.memref_slice %arg2[%dma_start3A_660, %multiple_of3A_659] : memref<32x1000000xf32, #tpu.memory_space<hbm>> -> memref<32x128xf32, #tpu.memory_space<hbm>>
        %dma_start3A_662 = arith.constant 0 : i32
        %dma_start3A_663 = tpu.memref_slice %arg2[%dma_start3A_662, %multiple_of3A_659] : memref<32x1000000xf32, #tpu.memory_space<hbm>> -> memref<32x128xf32, #tpu.memory_space<hbm>>
        tpu.enqueue_dma source(%dma_start3A_663 : memref<32x128xf32, #tpu.memory_space<hbm>>) target(%arg14 : memref<32x128xf32, #tpu.memory_space<vmem>>) target_semaphore(%arg8 : memref<!tpu.dma_semaphore, #tpu.memory_space<semaphore_mem>>)
        %slice3A_664 = vector.extract_strided_slice %mul3A_621 {offsets = [6], sizes = [1], strides = [1]} : vector<16xi32> to vector<1xi32>
        %squeeze3A_665 = vector.extract %slice3A_664[0] : i32 from vector<1xi32>
        %multiple_of3A_666 = tpu.assume_multiple %squeeze3A_665, 128 : i32
        %dma_start3A_667 = arith.constant 0 : i32
        %dma_start3A_668 = tpu.memref_slice %arg2[%dma_start3A_667, %multiple_of3A_666] : memref<32x1000000xf32, #tpu.memory_space<hbm>> -> memref<32x128xf32, #tpu.memory_space<hbm>>
        %dma_start3A_669 = arith.constant 0 : i32
        %dma_start3A_670 = tpu.memref_slice %arg2[%dma_start3A_669, %multiple_of3A_666] : memref<32x1000000xf32, #tpu.memory_space<hbm>> -> memref<32x128xf32, #tpu.memory_space<hbm>>
        tpu.enqueue_dma source(%dma_start3A_670 : memref<32x128xf32, #tpu.memory_space<hbm>>) target(%arg15 : memref<32x128xf32, #tpu.memory_space<vmem>>) target_semaphore(%arg8 : memref<!tpu.dma_semaphore, #tpu.memory_space<semaphore_mem>>)
        %slice3A_671 = vector.extract_strided_slice %mul3A_621 {offsets = [7], sizes = [1], strides = [1]} : vector<16xi32> to vector<1xi32>
        %squeeze3A_672 = vector.extract %slice3A_671[0] : i32 from vector<1xi32>
        %multiple_of3A_673 = tpu.assume_multiple %squeeze3A_672, 128 : i32
        %dma_start3A_674 = arith.constant 0 : i32
        %dma_start3A_675 = tpu.memref_slice %arg2[%dma_start3A_674, %multiple_of3A_673] : memref<32x1000000xf32, #tpu.memory_space<hbm>> -> memref<32x128xf32, #tpu.memory_space<hbm>>
        %dma_start3A_676 = arith.constant 0 : i32
        %dma_start3A_677 = tpu.memref_slice %arg2[%dma_start3A_676, %multiple_of3A_673] : memref<32x1000000xf32, #tpu.memory_space<hbm>> -> memref<32x128xf32, #tpu.memory_space<hbm>>
        tpu.enqueue_dma source(%dma_start3A_677 : memref<32x128xf32, #tpu.memory_space<hbm>>) target(%arg16 : memref<32x128xf32, #tpu.memory_space<vmem>>) target_semaphore(%arg8 : memref<!tpu.dma_semaphore, #tpu.memory_space<semaphore_mem>>)
      } else {
      }
      %dma_wait3A_347 = arith.constant 0 : i32
      %dma_wait3A_348 = arith.constant 0 : i32
      %dma_wait3A_349 = tpu.memref_slice %arg2[%dma_wait3A_347, %dma_wait3A_348] : memref<32x1000000xf32, #tpu.memory_space<hbm>> -> memref<32x128xf32, #tpu.memory_space<hbm>>
      %dma_wait3A_350 = arith.constant 0 : i32
      %dma_wait3A_351 = arith.constant 0 : i32
      %dma_wait3A_352 = tpu.memref_slice %arg2[%dma_wait3A_350, %dma_wait3A_351] : memref<32x1000000xf32, #tpu.memory_space<hbm>> -> memref<32x128xf32, #tpu.memory_space<hbm>>
      tpu.wait_dma2 semaphore(%arg8 : memref<!tpu.dma_semaphore, #tpu.memory_space<semaphore_mem>>) src(%dma_wait3A_352 : memref<32x128xf32, #tpu.memory_space<hbm>>) dst(%arg9 : memref<32x128xf32, #tpu.memory_space<vmem>>)
      %dma_wait3A_353 = arith.constant 0 : i32
      %dma_wait3A_354 = arith.constant 0 : i32
      %dma_wait3A_355 = tpu.memref_slice %arg2[%dma_wait3A_353, %dma_wait3A_354] : memref<32x1000000xf32, #tpu.memory_space<hbm>> -> memref<32x128xf32, #tpu.memory_space<hbm>>
      %dma_wait3A_356 = arith.constant 0 : i32
      %dma_wait3A_357 = arith.constant 0 : i32
      %dma_wait3A_358 = tpu.memref_slice %arg2[%dma_wait3A_356, %dma_wait3A_357] : memref<32x1000000xf32, #tpu.memory_space<hbm>> -> memref<32x128xf32, #tpu.memory_space<hbm>>
      tpu.wait_dma2 semaphore(%arg8 : memref<!tpu.dma_semaphore, #tpu.memory_space<semaphore_mem>>) src(%dma_wait3A_358 : memref<32x128xf32, #tpu.memory_space<hbm>>) dst(%arg9 : memref<32x128xf32, #tpu.memory_space<vmem>>)
      %dma_wait3A_359 = arith.constant 0 : i32
      %dma_wait3A_360 = arith.constant 0 : i32
      %dma_wait3A_361 = tpu.memref_slice %arg2[%dma_wait3A_359, %dma_wait3A_360] : memref<32x1000000xf32, #tpu.memory_space<hbm>> -> memref<32x128xf32, #tpu.memory_space<hbm>>
      %dma_wait3A_362 = arith.constant 0 : i32
      %dma_wait3A_363 = arith.constant 0 : i32
      %dma_wait3A_364 = tpu.memref_slice %arg2[%dma_wait3A_362, %dma_wait3A_363] : memref<32x1000000xf32, #tpu.memory_space<hbm>> -> memref<32x128xf32, #tpu.memory_space<hbm>>
      tpu.wait_dma2 semaphore(%arg8 : memref<!tpu.dma_semaphore, #tpu.memory_space<semaphore_mem>>) src(%dma_wait3A_364 : memref<32x128xf32, #tpu.memory_space<hbm>>) dst(%arg9 : memref<32x128xf32, #tpu.memory_space<vmem>>)
      %dma_wait3A_365 = arith.constant 0 : i32
      %dma_wait3A_366 = arith.constant 0 : i32
      %dma_wait3A_367 = tpu.memref_slice %arg2[%dma_wait3A_365, %dma_wait3A_366] : memref<32x1000000xf32, #tpu.memory_space<hbm>> -> memref<32x128xf32, #tpu.memory_space<hbm>>
      %dma_wait3A_368 = arith.constant 0 : i32
      %dma_wait3A_369 = arith.constant 0 : i32
      %dma_wait3A_370 = tpu.memref_slice %arg2[%dma_wait3A_368, %dma_wait3A_369] : memref<32x1000000xf32, #tpu.memory_space<hbm>> -> memref<32x128xf32, #tpu.memory_space<hbm>>
      tpu.wait_dma2 semaphore(%arg8 : memref<!tpu.dma_semaphore, #tpu.memory_space<semaphore_mem>>) src(%dma_wait3A_370 : memref<32x128xf32, #tpu.memory_space<hbm>>) dst(%arg9 : memref<32x128xf32, #tpu.memory_space<vmem>>)
      %dma_wait3A_371 = arith.constant 0 : i32
      %dma_wait3A_372 = arith.constant 0 : i32
      %dma_wait3A_373 = tpu.memref_slice %arg2[%dma_wait3A_371, %dma_wait3A_372] : memref<32x1000000xf32, #tpu.memory_space<hbm>> -> memref<32x128xf32, #tpu.memory_space<hbm>>
      %dma_wait3A_374 = arith.constant 0 : i32
      %dma_wait3A_375 = arith.constant 0 : i32
      %dma_wait3A_376 = tpu.memref_slice %arg2[%dma_wait3A_374, %dma_wait3A_375] : memref<32x1000000xf32, #tpu.memory_space<hbm>> -> memref<32x128xf32, #tpu.memory_space<hbm>>
      tpu.wait_dma2 semaphore(%arg8 : memref<!tpu.dma_semaphore, #tpu.memory_space<semaphore_mem>>) src(%dma_wait3A_376 : memref<32x128xf32, #tpu.memory_space<hbm>>) dst(%arg9 : memref<32x128xf32, #tpu.memory_space<vmem>>)
      %dma_wait3A_377 = arith.constant 0 : i32
      %dma_wait3A_378 = arith.constant 0 : i32
      %dma_wait3A_379 = tpu.memref_slice %arg2[%dma_wait3A_377, %dma_wait3A_378] : memref<32x1000000xf32, #tpu.memory_space<hbm>> -> memref<32x128xf32, #tpu.memory_space<hbm>>
      %dma_wait3A_380 = arith.constant 0 : i32
      %dma_wait3A_381 = arith.constant 0 : i32
      %dma_wait3A_382 = tpu.memref_slice %arg2[%dma_wait3A_380, %dma_wait3A_381] : memref<32x1000000xf32, #tpu.memory_space<hbm>> -> memref<32x128xf32, #tpu.memory_space<hbm>>
      tpu.wait_dma2 semaphore(%arg8 : memref<!tpu.dma_semaphore, #tpu.memory_space<semaphore_mem>>) src(%dma_wait3A_382 : memref<32x128xf32, #tpu.memory_space<hbm>>) dst(%arg9 : memref<32x128xf32, #tpu.memory_space<vmem>>)
      %dma_wait3A_383 = arith.constant 0 : i32
      %dma_wait3A_384 = arith.constant 0 : i32
      %dma_wait3A_385 = tpu.memref_slice %arg2[%dma_wait3A_383, %dma_wait3A_384] : memref<32x1000000xf32, #tpu.memory_space<hbm>> -> memref<32x128xf32, #tpu.memory_space<hbm>>
      %dma_wait3A_386 = arith.constant 0 : i32
      %dma_wait3A_387 = arith.constant 0 : i32
      %dma_wait3A_388 = tpu.memref_slice %arg2[%dma_wait3A_386, %dma_wait3A_387] : memref<32x1000000xf32, #tpu.memory_space<hbm>> -> memref<32x128xf32, #tpu.memory_space<hbm>>
      tpu.wait_dma2 semaphore(%arg8 : memref<!tpu.dma_semaphore, #tpu.memory_space<semaphore_mem>>) src(%dma_wait3A_388 : memref<32x128xf32, #tpu.memory_space<hbm>>) dst(%arg9 : memref<32x128xf32, #tpu.memory_space<vmem>>)
      %dma_wait3A_389 = arith.constant 0 : i32
      %dma_wait3A_390 = arith.constant 0 : i32
      %dma_wait3A_391 = tpu.memref_slice %arg2[%dma_wait3A_389, %dma_wait3A_390] : memref<32x1000000xf32, #tpu.memory_space<hbm>> -> memref<32x128xf32, #tpu.memory_space<hbm>>
      %dma_wait3A_392 = arith.constant 0 : i32
      %dma_wait3A_393 = arith.constant 0 : i32
      %dma_wait3A_394 = tpu.memref_slice %arg2[%dma_wait3A_392, %dma_wait3A_393] : memref<32x1000000xf32, #tpu.memory_space<hbm>> -> memref<32x128xf32, #tpu.memory_space<hbm>>
      tpu.wait_dma2 semaphore(%arg8 : memref<!tpu.dma_semaphore, #tpu.memory_space<semaphore_mem>>) src(%dma_wait3A_394 : memref<32x128xf32, #tpu.memory_space<hbm>>) dst(%arg9 : memref<32x128xf32, #tpu.memory_space<vmem>>)
      %add3A_395 = arith.constant 1 : i32
      %add3A_396 = arith.addi %mul3A_100, %add3A_395 : i32
      %mul3A_397 = arith.constant 8 : i32
      %mul3A_398 = arith.muli %add3A_396, %mul3A_397 : i32
      %get3A_399 = arith.index_cast %mul3A_398 : i32 to index
      %get3A_400 = tpu.vector_load %arg5[%get3A_399] {strides = array<i32>} : memref<528xi32, #tpu.memory_space<vmem>>, vector<16xi32>,
      %and3A_401 = arith.constant 127 : i32
      %and3A_402 = vector.broadcast %and3A_401 : i32 to vector<16xi32>
      %and3A_403 = arith.andi %get3A_400, %and3A_402 : vector<16xi32>
      %slice3A_404 = vector.extract_strided_slice %and3A_403 {offsets = [0], sizes = [1], strides = [1]} : vector<16xi32> to vector<1xi32>
      %squeeze3A_405 = vector.extract %slice3A_404[0] : i32 from vector<1xi32>
      %broadcast_in_dim3A_406 = vector.broadcast %squeeze3A_405 : i32 to vector<16xi32>
      %mul3A_407 = arith.constant 8 : i32
      %mul3A_408 = arith.muli %add3A_396, %mul3A_407 : i32
      %add3A_409 = arith.constant 0 : i32
      %add3A_410 = arith.addi %mul3A_408, %add3A_409 : i32
      %broadcast_in_dim3A_411 = vector.broadcast %add3A_410 : i32 to vector<16xi32>
      %add3A_412 = arith.constant 0 : i32
      %add3A_413 = vector.broadcast %add3A_412 : i32 to vector<16xi32>
      %add3A_414 = arith.addi %add3A_413, %iota3A : vector<16xi32>
      %gather3A_415 = tpu.vector_load_idx %arg17[%add3A_414, %broadcast_in_dim3A_406] : memref<32x128xf32, #tpu.memory_space<vmem>>[vector<16xi32>, vector<16xi32>], vector<16xf32>,
      %add3A_416 = arith.constant 0 : i32
      %add3A_417 = vector.broadcast %add3A_416 : i32 to vector<16xi32>
      %add3A_418 = arith.addi %add3A_417, %iota3A : vector<16xi32>
      tpu.vector_store_idx %arg6[%add3A_418, %broadcast_in_dim3A_411], %gather3A_415 : memref<32x512xf32, #tpu.memory_space<vmem>>[vector<16xi32>, vector<16xi32>], vector<16xf32>,
      %add3A_419 = arith.constant 16 : i32
      %add3A_420 = vector.broadcast %add3A_419 : i32 to vector<16xi32>
      %add3A_421 = arith.addi %add3A_420, %iota3A : vector<16xi32>
      %gather3A_422 = tpu.vector_load_idx %arg17[%add3A_421, %broadcast_in_dim3A_406] : memref<32x128xf32, #tpu.memory_space<vmem>>[vector<16xi32>, vector<16xi32>], vector<16xf32>,
      %add3A_423 = arith.constant 16 : i32
      %add3A_424 = vector.broadcast %add3A_423 : i32 to vector<16xi32>
      %add3A_425 = arith.addi %add3A_424, %iota3A : vector<16xi32>
      tpu.vector_store_idx %arg6[%add3A_425, %broadcast_in_dim3A_411], %gather3A_422 : memref<32x512xf32, #tpu.memory_space<vmem>>[vector<16xi32>, vector<16xi32>], vector<16xf32>,
      %slice3A_426 = vector.extract_strided_slice %and3A_403 {offsets = [1], sizes = [1], strides = [1]} : vector<16xi32> to vector<1xi32>
      %squeeze3A_427 = vector.extract %slice3A_426[0] : i32 from vector<1xi32>
      %broadcast_in_dim3A_428 = vector.broadcast %squeeze3A_427 : i32 to vector<16xi32>
      %mul3A_429 = arith.constant 8 : i32
      %mul3A_430 = arith.muli %add3A_396, %mul3A_429 : i32
      %add3A_431 = arith.constant 1 : i32
      %add3A_432 = arith.addi %mul3A_430, %add3A_431 : i32
      %broadcast_in_dim3A_433 = vector.broadcast %add3A_432 : i32 to vector<16xi32>
      %add3A_434 = arith.constant 0 : i32
      %add3A_435 = vector.broadcast %add3A_434 : i32 to vector<16xi32>
      %add3A_436 = arith.addi %add3A_435, %iota3A : vector<16xi32>
      %gather3A_437 = tpu.vector_load_idx %arg18[%add3A_436, %broadcast_in_dim3A_428] : memref<32x128xf32, #tpu.memory_space<vmem>>[vector<16xi32>, vector<16xi32>], vector<16xf32>,
      %add3A_438 = arith.constant 0 : i32
      %add3A_439 = vector.broadcast %add3A_438 : i32 to vector<16xi32>
      %add3A_440 = arith.addi %add3A_439, %iota3A : vector<16xi32>
      tpu.vector_store_idx %arg6[%add3A_440, %broadcast_in_dim3A_433], %gather3A_437 : memref<32x512xf32, #tpu.memory_space<vmem>>[vector<16xi32>, vector<16xi32>], vector<16xf32>,
      %add3A_441 = arith.constant 16 : i32
      %add3A_442 = vector.broadcast %add3A_441 : i32 to vector<16xi32>
      %add3A_443 = arith.addi %add3A_442, %iota3A : vector<16xi32>
      %gather3A_444 = tpu.vector_load_idx %arg18[%add3A_443, %broadcast_in_dim3A_428] : memref<32x128xf32, #tpu.memory_space<vmem>>[vector<16xi32>, vector<16xi32>], vector<16xf32>,
      %add3A_445 = arith.constant 16 : i32
      %add3A_446 = vector.broadcast %add3A_445 : i32 to vector<16xi32>
      %add3A_447 = arith.addi %add3A_446, %iota3A : vector<16xi32>
      tpu.vector_store_idx %arg6[%add3A_447, %broadcast_in_dim3A_433], %gather3A_444 : memref<32x512xf32, #tpu.memory_space<vmem>>[vector<16xi32>, vector<16xi32>], vector<16xf32>,
      %slice3A_448 = vector.extract_strided_slice %and3A_403 {offsets = [2], sizes = [1], strides = [1]} : vector<16xi32> to vector<1xi32>
      %squeeze3A_449 = vector.extract %slice3A_448[0] : i32 from vector<1xi32>
      %broadcast_in_dim3A_450 = vector.broadcast %squeeze3A_449 : i32 to vector<16xi32>
      %mul3A_451 = arith.constant 8 : i32
      %mul3A_452 = arith.muli %add3A_396, %mul3A_451 : i32
      %add3A_453 = arith.constant 2 : i32
      %add3A_454 = arith.addi %mul3A_452, %add3A_453 : i32
      %broadcast_in_dim3A_455 = vector.broadcast %add3A_454 : i32 to vector<16xi32>
      %add3A_456 = arith.constant 0 : i32
      %add3A_457 = vector.broadcast %add3A_456 : i32 to vector<16xi32>
      %add3A_458 = arith.addi %add3A_457, %iota3A : vector<16xi32>
      %gather3A_459 = tpu.vector_load_idx %arg19[%add3A_458, %broadcast_in_dim3A_450] : memref<32x128xf32, #tpu.memory_space<vmem>>[vector<16xi32>, vector<16xi32>], vector<16xf32>,
      %add3A_460 = arith.constant 0 : i32
      %add3A_461 = vector.broadcast %add3A_460 : i32 to vector<16xi32>
      %add3A_462 = arith.addi %add3A_461, %iota3A : vector<16xi32>
      tpu.vector_store_idx %arg6[%add3A_462, %broadcast_in_dim3A_455], %gather3A_459 : memref<32x512xf32, #tpu.memory_space<vmem>>[vector<16xi32>, vector<16xi32>], vector<16xf32>,
      %add3A_463 = arith.constant 16 : i32
      %add3A_464 = vector.broadcast %add3A_463 : i32 to vector<16xi32>
      %add3A_465 = arith.addi %add3A_464, %iota3A : vector<16xi32>
      %gather3A_466 = tpu.vector_load_idx %arg19[%add3A_465, %broadcast_in_dim3A_450] : memref<32x128xf32, #tpu.memory_space<vmem>>[vector<16xi32>, vector<16xi32>], vector<16xf32>,
      %add3A_467 = arith.constant 16 : i32
      %add3A_468 = vector.broadcast %add3A_467 : i32 to vector<16xi32>
      %add3A_469 = arith.addi %add3A_468, %iota3A : vector<16xi32>
      tpu.vector_store_idx %arg6[%add3A_469, %broadcast_in_dim3A_455], %gather3A_466 : memref<32x512xf32, #tpu.memory_space<vmem>>[vector<16xi32>, vector<16xi32>], vector<16xf32>,
      %slice3A_470 = vector.extract_strided_slice %and3A_403 {offsets = [3], sizes = [1], strides = [1]} : vector<16xi32> to vector<1xi32>
      %squeeze3A_471 = vector.extract %slice3A_470[0] : i32 from vector<1xi32>
      %broadcast_in_dim3A_472 = vector.broadcast %squeeze3A_471 : i32 to vector<16xi32>
      %mul3A_473 = arith.constant 8 : i32
      %mul3A_474 = arith.muli %add3A_396, %mul3A_473 : i32
      %add3A_475 = arith.constant 3 : i32
      %add3A_476 = arith.addi %mul3A_474, %add3A_475 : i32
      %broadcast_in_dim3A_477 = vector.broadcast %add3A_476 : i32 to vector<16xi32>
      %add3A_478 = arith.constant 0 : i32
      %add3A_479 = vector.broadcast %add3A_478 : i32 to vector<16xi32>
      %add3A_480 = arith.addi %add3A_479, %iota3A : vector<16xi32>
      %gather3A_481 = tpu.vector_load_idx %arg20[%add3A_480, %broadcast_in_dim3A_472] : memref<32x128xf32, #tpu.memory_space<vmem>>[vector<16xi32>, vector<16xi32>], vector<16xf32>,
      %add3A_482 = arith.constant 0 : i32
      %add3A_483 = vector.broadcast %add3A_482 : i32 to vector<16xi32>
      %add3A_484 = arith.addi %add3A_483, %iota3A : vector<16xi32>
      tpu.vector_store_idx %arg6[%add3A_484, %broadcast_in_dim3A_477], %gather3A_481 : memref<32x512xf32, #tpu.memory_space<vmem>>[vector<16xi32>, vector<16xi32>], vector<16xf32>,
      %add3A_485 = arith.constant 16 : i32
      %add3A_486 = vector.broadcast %add3A_485 : i32 to vector<16xi32>
      %add3A_487 = arith.addi %add3A_486, %iota3A : vector<16xi32>
      %gather3A_488 = tpu.vector_load_idx %arg20[%add3A_487, %broadcast_in_dim3A_472] : memref<32x128xf32, #tpu.memory_space<vmem>>[vector<16xi32>, vector<16xi32>], vector<16xf32>,
      %add3A_489 = arith.constant 16 : i32
      %add3A_490 = vector.broadcast %add3A_489 : i32 to vector<16xi32>
      %add3A_491 = arith.addi %add3A_490, %iota3A : vector<16xi32>
      tpu.vector_store_idx %arg6[%add3A_491, %broadcast_in_dim3A_477], %gather3A_488 : memref<32x512xf32, #tpu.memory_space<vmem>>[vector<16xi32>, vector<16xi32>], vector<16xf32>,
      %slice3A_492 = vector.extract_strided_slice %and3A_403 {offsets = [4], sizes = [1], strides = [1]} : vector<16xi32> to vector<1xi32>
      %squeeze3A_493 = vector.extract %slice3A_492[0] : i32 from vector<1xi32>
      %broadcast_in_dim3A_494 = vector.broadcast %squeeze3A_493 : i32 to vector<16xi32>
      %mul3A_495 = arith.constant 8 : i32
      %mul3A_496 = arith.muli %add3A_396, %mul3A_495 : i32
      %add3A_497 = arith.constant 4 : i32
      %add3A_498 = arith.addi %mul3A_496, %add3A_497 : i32
      %broadcast_in_dim3A_499 = vector.broadcast %add3A_498 : i32 to vector<16xi32>
      %add3A_500 = arith.constant 0 : i32
      %add3A_501 = vector.broadcast %add3A_500 : i32 to vector<16xi32>
      %add3A_502 = arith.addi %add3A_501, %iota3A : vector<16xi32>
      %gather3A_503 = tpu.vector_load_idx %arg21[%add3A_502, %broadcast_in_dim3A_494] : memref<32x128xf32, #tpu.memory_space<vmem>>[vector<16xi32>, vector<16xi32>], vector<16xf32>,
      %add3A_504 = arith.constant 0 : i32
      %add3A_505 = vector.broadcast %add3A_504 : i32 to vector<16xi32>
      %add3A_506 = arith.addi %add3A_505, %iota3A : vector<16xi32>
      tpu.vector_store_idx %arg6[%add3A_506, %broadcast_in_dim3A_499], %gather3A_503 : memref<32x512xf32, #tpu.memory_space<vmem>>[vector<16xi32>, vector<16xi32>], vector<16xf32>,
      %add3A_507 = arith.constant 16 : i32
      %add3A_508 = vector.broadcast %add3A_507 : i32 to vector<16xi32>
      %add3A_509 = arith.addi %add3A_508, %iota3A : vector<16xi32>
      %gather3A_510 = tpu.vector_load_idx %arg21[%add3A_509, %broadcast_in_dim3A_494] : memref<32x128xf32, #tpu.memory_space<vmem>>[vector<16xi32>, vector<16xi32>], vector<16xf32>,
      %add3A_511 = arith.constant 16 : i32
      %add3A_512 = vector.broadcast %add3A_511 : i32 to vector<16xi32>
      %add3A_513 = arith.addi %add3A_512, %iota3A : vector<16xi32>
      tpu.vector_store_idx %arg6[%add3A_513, %broadcast_in_dim3A_499], %gather3A_510 : memref<32x512xf32, #tpu.memory_space<vmem>>[vector<16xi32>, vector<16xi32>], vector<16xf32>,
      %slice3A_514 = vector.extract_strided_slice %and3A_403 {offsets = [5], sizes = [1], strides = [1]} : vector<16xi32> to vector<1xi32>
      %squeeze3A_515 = vector.extract %slice3A_514[0] : i32 from vector<1xi32>
      %broadcast_in_dim3A_516 = vector.broadcast %squeeze3A_515 : i32 to vector<16xi32>
      %mul3A_517 = arith.constant 8 : i32
      %mul3A_518 = arith.muli %add3A_396, %mul3A_517 : i32
      %add3A_519 = arith.constant 5 : i32
      %add3A_520 = arith.addi %mul3A_518, %add3A_519 : i32
      %broadcast_in_dim3A_521 = vector.broadcast %add3A_520 : i32 to vector<16xi32>
      %add3A_522 = arith.constant 0 : i32
      %add3A_523 = vector.broadcast %add3A_522 : i32 to vector<16xi32>
      %add3A_524 = arith.addi %add3A_523, %iota3A : vector<16xi32>
      %gather3A_525 = tpu.vector_load_idx %arg22[%add3A_524, %broadcast_in_dim3A_516] : memref<32x128xf32, #tpu.memory_space<vmem>>[vector<16xi32>, vector<16xi32>], vector<16xf32>,
      %add3A_526 = arith.constant 0 : i32
      %add3A_527 = vector.broadcast %add3A_526 : i32 to vector<16xi32>
      %add3A_528 = arith.addi %add3A_527, %iota3A : vector<16xi32>
      tpu.vector_store_idx %arg6[%add3A_528, %broadcast_in_dim3A_521], %gather3A_525 : memref<32x512xf32, #tpu.memory_space<vmem>>[vector<16xi32>, vector<16xi32>], vector<16xf32>,
      %add3A_529 = arith.constant 16 : i32
      %add3A_530 = vector.broadcast %add3A_529 : i32 to vector<16xi32>
      %add3A_531 = arith.addi %add3A_530, %iota3A : vector<16xi32>
      %gather3A_532 = tpu.vector_load_idx %arg22[%add3A_531, %broadcast_in_dim3A_516] : memref<32x128xf32, #tpu.memory_space<vmem>>[vector<16xi32>, vector<16xi32>], vector<16xf32>,
      %add3A_533 = arith.constant 16 : i32
      %add3A_534 = vector.broadcast %add3A_533 : i32 to vector<16xi32>
      %add3A_535 = arith.addi %add3A_534, %iota3A : vector<16xi32>
      tpu.vector_store_idx %arg6[%add3A_535, %broadcast_in_dim3A_521], %gather3A_532 : memref<32x512xf32, #tpu.memory_space<vmem>>[vector<16xi32>, vector<16xi32>], vector<16xf32>,
      %slice3A_536 = vector.extract_strided_slice %and3A_403 {offsets = [6], sizes = [1], strides = [1]} : vector<16xi32> to vector<1xi32>
      %squeeze3A_537 = vector.extract %slice3A_536[0] : i32 from vector<1xi32>
      %broadcast_in_dim3A_538 = vector.broadcast %squeeze3A_537 : i32 to vector<16xi32>
      %mul3A_539 = arith.constant 8 : i32
      %mul3A_540 = arith.muli %add3A_396, %mul3A_539 : i32
      %add3A_541 = arith.constant 6 : i32
      %add3A_542 = arith.addi %mul3A_540, %add3A_541 : i32
      %broadcast_in_dim3A_543 = vector.broadcast %add3A_542 : i32 to vector<16xi32>
      %add3A_544 = arith.constant 0 : i32
      %add3A_545 = vector.broadcast %add3A_544 : i32 to vector<16xi32>
      %add3A_546 = arith.addi %add3A_545, %iota3A : vector<16xi32>
      %gather3A_547 = tpu.vector_load_idx %arg23[%add3A_546, %broadcast_in_dim3A_538] : memref<32x128xf32, #tpu.memory_space<vmem>>[vector<16xi32>, vector<16xi32>], vector<16xf32>,
      %add3A_548 = arith.constant 0 : i32
      %add3A_549 = vector.broadcast %add3A_548 : i32 to vector<16xi32>
      %add3A_550 = arith.addi %add3A_549, %iota3A : vector<16xi32>
      tpu.vector_store_idx %arg6[%add3A_550, %broadcast_in_dim3A_543], %gather3A_547 : memref<32x512xf32, #tpu.memory_space<vmem>>[vector<16xi32>, vector<16xi32>], vector<16xf32>,
      %add3A_551 = arith.constant 16 : i32
      %add3A_552 = vector.broadcast %add3A_551 : i32 to vector<16xi32>
      %add3A_553 = arith.addi %add3A_552, %iota3A : vector<16xi32>
      %gather3A_554 = tpu.vector_load_idx %arg23[%add3A_553, %broadcast_in_dim3A_538] : memref<32x128xf32, #tpu.memory_space<vmem>>[vector<16xi32>, vector<16xi32>], vector<16xf32>,
      %add3A_555 = arith.constant 16 : i32
      %add3A_556 = vector.broadcast %add3A_555 : i32 to vector<16xi32>
      %add3A_557 = arith.addi %add3A_556, %iota3A : vector<16xi32>
      tpu.vector_store_idx %arg6[%add3A_557, %broadcast_in_dim3A_543], %gather3A_554 : memref<32x512xf32, #tpu.memory_space<vmem>>[vector<16xi32>, vector<16xi32>], vector<16xf32>,
      %slice3A_558 = vector.extract_strided_slice %and3A_403 {offsets = [7], sizes = [1], strides = [1]} : vector<16xi32> to vector<1xi32>
      %squeeze3A_559 = vector.extract %slice3A_558[0] : i32 from vector<1xi32>
      %broadcast_in_dim3A_560 = vector.broadcast %squeeze3A_559 : i32 to vector<16xi32>
      %mul3A_561 = arith.constant 8 : i32
      %mul3A_562 = arith.muli %add3A_396, %mul3A_561 : i32
      %add3A_563 = arith.constant 7 : i32
      %add3A_564 = arith.addi %mul3A_562, %add3A_563 : i32
      %broadcast_in_dim3A_565 = vector.broadcast %add3A_564 : i32 to vector<16xi32>
      %add3A_566 = arith.constant 0 : i32
      %add3A_567 = vector.broadcast %add3A_566 : i32 to vector<16xi32>
      %add3A_568 = arith.addi %add3A_567, %iota3A : vector<16xi32>
      %gather3A_569 = tpu.vector_load_idx %arg24[%add3A_568, %broadcast_in_dim3A_560] : memref<32x128xf32, #tpu.memory_space<vmem>>[vector<16xi32>, vector<16xi32>], vector<16xf32>,
      %add3A_570 = arith.constant 0 : i32
      %add3A_571 = vector.broadcast %add3A_570 : i32 to vector<16xi32>
      %add3A_572 = arith.addi %add3A_571, %iota3A : vector<16xi32>
      tpu.vector_store_idx %arg6[%add3A_572, %broadcast_in_dim3A_565], %gather3A_569 : memref<32x512xf32, #tpu.memory_space<vmem>>[vector<16xi32>, vector<16xi32>], vector<16xf32>,
      %add3A_573 = arith.constant 16 : i32
      %add3A_574 = vector.broadcast %add3A_573 : i32 to vector<16xi32>
      %add3A_575 = arith.addi %add3A_574, %iota3A : vector<16xi32>
      %gather3A_576 = tpu.vector_load_idx %arg24[%add3A_575, %broadcast_in_dim3A_560] : memref<32x128xf32, #tpu.memory_space<vmem>>[vector<16xi32>, vector<16xi32>], vector<16xf32>,
      %add3A_577 = arith.constant 16 : i32
      %add3A_578 = vector.broadcast %add3A_577 : i32 to vector<16xi32>
      %add3A_579 = arith.addi %add3A_578, %iota3A : vector<16xi32>
      tpu.vector_store_idx %arg6[%add3A_579, %broadcast_in_dim3A_565], %gather3A_576 : memref<32x512xf32, #tpu.memory_space<vmem>>[vector<16xi32>, vector<16xi32>], vector<16xf32>,
    }
    %scan3A_97 = arith.constant 32 : i32
    "tpu.region"() ({
      %run_scoped3A = tpu.sem_alloc : memref<!tpu.dma_semaphore, #tpu.memory_space<semaphore_mem>>
      %dma_start3A_98 = arith.constant 0 : i32
      %dma_start3A_99 = tpu.memref_slice %arg4[%dma_start3A_98, %mul3A_2] : memref<32x16384xf32, #tpu.memory_space<hbm>> -> memref<32x512xf32, #tpu.memory_space<hbm>>
      %dma_start3A_100 = arith.constant 0 : i32
      %dma_start3A_101 = tpu.memref_slice %arg4[%dma_start3A_100, %mul3A_2] : memref<32x16384xf32, #tpu.memory_space<hbm>> -> memref<32x512xf32, #tpu.memory_space<hbm>>
      tpu.enqueue_dma source(%arg6 : memref<32x512xf32, #tpu.memory_space<vmem>>) target(%dma_start3A_101 : memref<32x512xf32, #tpu.memory_space<hbm>>) target_semaphore(%run_scoped3A : memref<!tpu.dma_semaphore, #tpu.memory_space<semaphore_mem>>)
      %dma_wait3A_102 = arith.constant 0 : i32
      %dma_wait3A_103 = tpu.memref_slice %arg4[%dma_wait3A_102, %mul3A_2] : memref<32x16384xf32, #tpu.memory_space<hbm>> -> memref<32x512xf32, #tpu.memory_space<hbm>>
      %dma_wait3A_104 = arith.constant 0 : i32
      %dma_wait3A_105 = tpu.memref_slice %arg4[%dma_wait3A_104, %mul3A_2] : memref<32x16384xf32, #tpu.memory_space<hbm>> -> memref<32x512xf32, #tpu.memory_space<hbm>>
      tpu.wait_dma2 semaphore(%run_scoped3A : memref<!tpu.dma_semaphore, #tpu.memory_space<semaphore_mem>>) src(%arg6 : memref<32x512xf32, #tpu.memory_space<vmem>>) dst(%dma_wait3A_105 : memref<32x512xf32, #tpu.memory_space<hbm>>)
      tpu.yield
    }) : () -> ()
    return
  }
}

</mosaic_0001>

<sc_bundles>
// kernel: kernel.3.cloned.1.call-start
scs
__scs_entry_jumppad:
0x0: {  	(pc) =	sbr.rel $0x88, $3  }
0x1: {  	(tag) =	ssettag $0x0;
	lr =	simm.s32 $0x1  }
0x2: {  	[smem:$0x3F9F] =	sst lr;
	_ =	strace $0xD0000000  }
0x3: {  	_ = 	snop  }
0x4: {  	_ = 	snop  }
0x5: {  	_ = 	snop  }
0x6: {  	_ = 	snop  }
0x7: {  	_ = 	snop  }
__scs_overlays_trampoline_lowered:
0x8: {  	[smem:$0x3FAE] =	sst s0  }
0x9: {  	[smem:$0x3FAF] =	sst s1  }
0xa: {  	[smem:$0x3FB0] =	sst s2  }
0xb: {  	[smem:$0x3FB1] =	sst s3  }
0xc: {  	[smem:$0x3FB2] =	sst s4  }
0xd: {  	[smem:$0x3FB3] =	sst s5  }
0xe: {  	[smem:$0x3FB4] =	sst s6  }
0xf: {  	[smem:$0x3FB5] =	sst s7  }
0x10: {  	[smem:$0x3FB6] =	sst s8  }
0x11: {  	[smem:$0x3FB7] =	sst s9;
	s0 =	simm.s32 @!p0 $0x0  }
0x12: {  	s1 =	sld [smem:$0x3F9D];
	s0 =	simm.s32 @p0 $0x1  }
0x13: {  	[smem:$0x3FB8] =	sst s0;
	s0 =	simm.s32 @!p1 $0x0  }
0x14: {  	s2 =	sld [smem:$0x3F9C];
	s0 =	simm.s32 @p1 $0x1  }
0x15: {  	[smem:$0x3FB9] =	sst s0;
	s0 =	simm.s32 @!p2 $0x0  }
0x16: {  	s3 =	sld [smem:$0x3FDB];
	s0 =	simm.s32 @p2 $0x1  }
0x17: {  	s4 =	simm.s32 $0x1BF5;
	[smem:$0x3FBB] =	sst s0  }
0x18: {  	s0 =	sld [smem:$0x3F9E];
	_ =	swait.ge [sflag:s4], $0x0  }
0x19: {  	s7 =	sld [smem:$0x3F9F]  }
0x1a: {  	s8 =	sadd.s32 $0xFFFFE003, lr  }
0x1b: {  	s9 =	sadd.s32 $0xFFFFFEF7, lr;
	s5 =	simm.s32 $0xFFFFFFFF;
	p2 =	slt.u32 s8, $0xFFFFF086  }
0x1c: {  	p1 =	slt.u32 s9, $0xF7A;
	s5 =	simm.s32 @!p2 $0x0  }
0x1d: {  	s5 =	simm.s32 @p1 $0x1;
	p0 =	seq.s32 s7, s2  }
0x1e: {  	s7 =	smul.u32 @!p0 $0xF7A, s2;
	p2 =	seq.s32 @!p0 s5, $0x0  }
0x1f: {  	s9 =	smul.u32 $0xF7A, s1;
	s8 =	simm.s32 @!p0 $0x1BF5;
	p2 =	por !p2, p0  }
0x20: {  	[sflag:s8] =	ssyncset.s32 @!p0 $0xFFFFF086;
	s6 =	sadd.s32 @!p0 s3, s7;
	s7 =	simm.s32 @!p0 $0x108  }
0x21: {  	s3 =	sadd.s32 s3, s9;
	s6 =	sadd.s32 @!p0 $0x88, s6;
	s7 =	simm.s32 @p2 $0x1082  }
0x22: {  	[simem:s7], [sflag:s8] =	dma.local @!p0 [hbm:s6], $0xF7A  }
0x23: {  	s9 =	sor.u32 $0xD0000000, s2;
	s6 =	simm.s32 $0x108;
	_ =	swait.ge @!p0 [sflag:s8], $0x0  }
0x24: {  	s3 =	sadd.s32 $0x88, s3;
	s6 =	simm.s32 @!p1 $0x1082;
	[sflag:s4] =	ssyncset.s32 $0xFFFFF086  }
0x25: {  	[simem:s6], [sflag:s4] =	dma.local [hbm:s3], $0xF7A  }
0x26: {  	[smem:$0x3F9F] =	sst s1;
	(tag) =	ssettag s2;
	_ =	strace s9  }
0x27: {  	s1 =	sld [smem:$0x3FAF]  }
0x28: {  	s2 =	sld [smem:$0x3FB0]  }
0x29: {  	s4 =	sld [smem:$0x3FB2]  }
0x2a: {  	p0 =	seq.s32 s5, $0x0;
	s5 =	sld [smem:$0x3FB3]  }
0x2b: {  	s6 =	sld [smem:$0x3FB4]  }
0x2c: {  	s7 =	sld [smem:$0x3FB5]  }
0x2d: {  	s3 =	simm.s32 $0x108;
	s8 =	sld [smem:$0x3FB6]  }
0x2e: {  	s3 =	simm.s32 @!p0 $0x1082;
	s9 =	sld [smem:$0x3FB7]  }
0x2f: {  	lr =	sadd.s32 s0, s3;
	s0 =	sld [smem:$0x3FAE]  }
0x30: {  	s3 =	sld [smem:$0x3FB1]  }
0x31: {  	[smem:$0x3FBA] =	sst s10  }
0x32: {  	s10 =	sld [smem:$0x3FB8];
	_ =	sdelay $0x3  }
0x33: {  	p0 =	seq.s32 s10, $0x1;
	s10 =	sld [smem:$0x3FBA];
	_ =	sdelay $0x3  }
0x34: {  	[smem:$0x3FBA] =	sst s10  }
0x35: {  	s10 =	sld [smem:$0x3FB9];
	_ =	sdelay $0x3  }
0x36: {  	p1 =	seq.s32 s10, $0x1;
	s10 =	sld [smem:$0x3FBA];
	_ =	sdelay $0x3  }
0x37: {  	[smem:$0x3FBA] =	sst s10  }
0x38: {  	s10 =	sld [smem:$0x3FBB]  }
0x39: {  	_ = 	snop;
	(pc) =	sbr.ind lr, $3  }
0x3a: {  	_ = 	snop  }
0x3b: {  	_ = 	snop  }
0x3c: {  	p2 =	seq.s32 s10, $0x1;
	s10 =	sld [smem:$0x3FBA]  }
0x3d: {  	_ =	shalt  }
0x3e: {  	_ =	shalt  }
0x3f: {  	_ =	shalt  }
0x40: {  	_ =	shalt  }
0x41: {  	_ =	shalt  }
0x42: {  	_ =	shalt  }
0x43: {  	_ =	shalt  }
0x44: {  	_ =	shalt  }
0x45: {  	_ =	shalt  }
0x46: {  	_ =	shalt  }
0x47: {  	_ =	shalt  }
0x48: {  	_ =	shalt  }
0x49: {  	_ =	shalt  }
0x4a: {  	_ =	shalt  }
0x4b: {  	_ =	shalt  }
0x4c: {  	_ =	shalt  }
0x4d: {  	_ =	shalt  }
0x4e: {  	_ =	shalt  }
0x4f: {  	_ =	shalt  }
0x50: {  	_ =	shalt  }
0x51: {  	_ =	shalt  }
0x52: {  	_ =	shalt  }
0x53: {  	_ =	shalt  }
0x54: {  	_ =	shalt  }
0x55: {  	_ =	shalt  }
0x56: {  	_ =	shalt  }
0x57: {  	_ =	shalt  }
0x58: {  	_ =	shalt  }
0x59: {  	_ =	shalt  }
0x5a: {  	_ =	shalt  }
0x5b: {  	_ =	shalt  }
0x5c: {  	_ =	shalt  }
0x5d: {  	_ =	shalt  }
0x5e: {  	_ =	shalt  }
0x5f: {  	_ =	shalt  }
0x60: {  	_ =	shalt  }
0x61: {  	_ =	shalt  }
0x62: {  	_ =	shalt  }
0x63: {  	_ =	shalt  }
0x64: {  	_ =	shalt  }
0x65: {  	_ =	shalt  }
0x66: {  	_ =	shalt  }
0x67: {  	_ =	shalt  }
0x68: {  	_ =	shalt  }
0x69: {  	_ =	shalt  }
0x6a: {  	_ =	shalt  }
0x6b: {  	_ =	shalt  }
0x6c: {  	_ =	shalt  }
0x6d: {  	_ =	shalt  }
0x6e: {  	_ =	shalt  }
0x6f: {  	_ =	shalt  }
0x70: {  	_ =	shalt  }
0x71: {  	_ =	shalt  }
0x72: {  	_ =	shalt  }
0x73: {  	_ =	shalt  }
0x74: {  	_ =	shalt  }
0x75: {  	_ =	shalt  }
0x76: {  	_ =	shalt  }
0x77: {  	_ =	shalt  }
0x78: {  	_ =	shalt  }
0x79: {  	_ =	shalt  }
0x7a: {  	_ =	shalt  }
0x7b: {  	_ =	shalt  }
0x7c: {  	_ =	shalt  }
0x7d: {  	_ =	shalt  }
0x7e: {  	_ =	shalt  }
0x7f: {  	_ =	shalt  }
0x80: {  	_ =	shalt  }
0x81: {  	_ =	shalt  }
0x82: {  	_ =	shalt  }
0x83: {  	_ =	shalt  }
0x84: {  	_ =	shalt  }
0x85: {  	_ =	shalt  }
0x86: {  	_ =	shalt  }
0x87: {  	_ =	shalt  }
.Lfunc_end0:
.L_simem_size_0:
called_computation_lowered:
.L_overlay_start_0:
0x88: {  	s2 =	sld [smem:$0x3FD9]  }
0x89: {  	s3 =	sld [smem:$0x3FFE];
	_ =	sdelay $0x1  }
0x8a: {  	s1 =	srdreg.scid  }
0x8b: {  	s0 =	sand.u32 $0x1, s1  }
0x8c: {  	s18 =	sshll.u32 s0, $0xA;
	s2 =	sadd.s32 s3, s2  }
0x8d: {  	s2 =	sadd.s32 s2, s18  }
0x8e: {  	[smem:$0x3FC6] =	sst s2  }
0x8f: {  	_ = 	snop  }
0x90: {  	s2 =	sld [smem:$0x3FC9]  }
0x91: {  	s19 =	sld [smem:$0x3FC8]  }
0x92: {  	s4 =	sld [smem:$0x3FD0];
	(tm) =	ssettm $0x1  }
0x93: {  	s5 =	sld [smem:$0x3FFB];
	_ =	sdelay $0x3  }
0x94: {  	_ =	strace s5  }
0x95: {  	s5 =	sld [smem:$0x3FFC];
	_ =	sdelay $0x3  }
0x96: {  	_ =	strace s5  }
0x97: {  	s5 =	sld [smem:$0x3FFD];
	_ =	sdelay $0x3  }
0x98: {  	_ =	strace s5  }
0x99: {  	_ =	strace $0x8FFFFFFF  }
0x9a: {  	s20 =	sld [smem:$0x3FDB];
	_ =	sdelay $0x1  }
0x9b: {  	s6 =	simm.s32 $_scs_section_size  }
0x9c: {  	s7 =	simm.s32 $_size__tile_overlayer_lowered;
	s8 =	simm.s32 $_tile_overlayer_lowered  }
0x9d: {  	s23 =	simm.s32 $0x1BFF;
	s22 =	sshll.u32 s8, $0x1;
	s5 =	sadd.s32 s6, s20  }
0x9e: {  	s9 =	simm.s32 $0x0;
	s21 =	sshll.u32 s7, $0x1;
	s7 =	sadd.s32 s22, s5  }
0x9f: {  	[timem:s9], [sflag:s23] =	dma.local [hbm:s7], s21  }
0xa0: {  	_ =	swait.ge [sflag:s23], s21  }
0xa1: {  	s6 =	ssub.s32 $0x0, s21;
	[sflag:s23] =	ssyncset.done $0x0  }
0xa2: {  	[sflag:s23] =	ssyncadd.s32 s6;
	_ =	sdelay $0x1  }
0xa3: {  	s24 =	simm.s32 $0x1B8B  }
0xa4: {  	_ =	swait.ge [sflag:s24], $0x1  }
0xa5: {  	[sflag:s24] =	ssyncset.done $0x0  }
0xa6: {  	s25 =	simm.s32 $0x1B8E;
	[sflag:s24] =	ssyncadd.s32 $0xFFFFFFFF  }
0xa7: {  	s26 =	simm.s32 $execute0_lowered;
	[smem:$0x3FD2] =	sst s25  }
0xa8: {  	s6 =	sshll.u32 s26, $0x1;
	_ =	strace $0x80000046;
	[dreg:$0x1] =	wrdreg $0xFFFFFFFF  }
0xa9: {  	s28 =	simm.s32 $_size_execute0_lowered;
	s5 =	sadd.s32 s5, s6;
	[dreg:$0x0] =	wrdreg $0x0  }
0xaa: {  	s6 =	sshll.u32 s28, $0x1;
	[dreg:$0x2] =	wrdreg s5  }
0xab: {  	[dreg:$0x3] =	wrdreg s6  }
0xac: {  	[dreg:$0x4] =	wrdreg $0xC0  }
0xad: {  	_ =	task [dreg:s9], $0x5FFFF  }
0xae: {  	[dreg:$0x1] =	wrdreg $0xFFFFFFFF  }
0xaf: {  	[dreg:$0x0] =	wrdreg $0x60  }
0xb0: {  	[dreg:$0x2] =	wrdreg s19  }
0xb1: {  	[dreg:$0x3] =	wrdreg s2  }
0xb2: {  	[dreg:$0x4] =	wrdreg s4  }
0xb3: {  	[dreg:$0x5] =	wrdreg $0x9  }
0xb4: {  	_ =	task.clear_ibuf [dreg:s9], $0x6FFFF;
	_ =	strace $0x90000046  }
0xb5: {  	s29 =	simm.s32 $0x9;
	_ =	strace $0x80000048  }
0xb6: {  	_ =	swait.ge [sflag:s29], $0x1  }
0xb7: {  	[sflag:s29] =	ssyncadd.s32 $0xFFFFFFFF  }
0xb8: {  	_ =	strace $0x90000048  }
0xb9: {  	_ =	sfence  }
0xba: {  	s30 =	sld [smem:$0x0];
	_ =	sdelay $0x2  }
0xbb: {  	s31 =	sshll.u32 s1, $0xD;
	s1 =	sshrl.u32 s1, $0x2  }
0xbc: {  	s3 =	sand.u32 $0x4000, s31;
	s1 =	sadd.s32 s1, s30  }
0xbd: {  	s0 =	sor.u32 s3, s0;
	s1 =	sshll.u32 s1, $0x11  }
0xbe: {  	s0 =	sor.u32 s1, s0  }
0xbf: {  	s0 =	sadd.s32 $0x8F2B, s0  }
0xc0: {  	[sflag:s0] =	ssyncadd.remote.s32 $0x1  }
0xc1: {  	_ =	sfence.sel $0xFFFF  }
0xc2: {  	[dreg:$0x0] =	wrdreg $0xFFFFFFFF;
	(pc) =	sbr.abs _section_cstart, $3  }
0xc3: {  	[dreg:$0x1] =	wrdreg $0xFFFFFFFF  }
0xc4: {  	_ =	task.clear_ibuf [dreg:s9], $0x2FFFF;
	_ =	strace $0x9FFFFFFF  }
0xc5: {  	(tm) =	ssettm $0x7FFFFFFF  }
tec
execute0_lowered:
.L_overlay_start_1:
0x0: {  	(tag) =	ssettag $0x1  }
0x1: {  	v1 =	vlaneseq.u32;
	v2 =	vimm.s32 $0x1380;
	vm0 =	vcmask $0x300  }
0x2: {  	s0 =	rddreg [dreg:$0x0];
	v3 =	vimm.s32 $0x3380;
	vm1 =	vcmask $0x704;
	vm15 =	vcmask $0xB08  }
0x3: {  	s1 =	rddreg [dreg:$0x1];
	s2 =	srdreg.scid;
	vm4 =	vcmask $0xF0C;
	v2 =	vsel vm0, $0x0, v2;
	v3 =	vsel vm0, $0x2000, v3  }
0x4: {  	s3 =	rddreg [dreg:$0x2];
	s4 =	stileid.u32;
	vm5 =	vcmask $0x1310;
	v2 =	vsel vm1, $0x80, v2;
	v3 =	vsel vm1, $0x2080, v3  }
0x5: {  	s6 =	simm.s32 $0x0;
	vm6 =	vcmask $0x1714;
	s7 =	simm.s32 $0x400;
	s8 =	simm.s32 $0x1;
	v2 =	vsel vm15, $0x100, v2;
	v3 =	vsel vm15, $0x2100, v3  }
0x6: {  	v0 =	vimm.s32 $0x0;
	s9 =	simm.s32 $0x7A1400;
	s10 =	simm.s32 $0x4280;
	s11 =	simm.s32 $0x5280;
	v2 =	vsel vm4, $0x180, v2;
	v3 =	vsel vm4, $0x2180, v3  }
0x7: {  	vm7 =	vcmask $0x1B18;
	s12 =	simm.s32 $0x6280;
	s13 =	simm.s32 $0x7280;
	s14 =	simm.s32 $0x8280;
	v2 =	vsel vm5, $0x200, v2;
	v3 =	vsel vm5, $0x2200, v3  }
0x8: {  	vm8 =	vcmask $0x1F1C;
	s15 =	simm.s32 $0x9280;
	s16 =	simm.s32 $0xA280;
	s17 =	simm.s32 $0xB280;
	v2 =	vsel vm6, $0x280, v2;
	v3 =	vsel vm6, $0x2280, v3  }
0x9: {  	vm9 =	vcmask $0x2320;
	s18 =	simm.s32 $0xC280;
	s19 =	simm.s32 $0xD280;
	s20 =	simm.s32 $0xE280;
	v2 =	vsel vm7, $0x300, v2;
	v3 =	vsel vm7, $0x2300, v3  }
0xa: {  	vm10 =	vcmask $0x2724;
	s21 =	simm.s32 $0xF280;
	s22 =	simm.s32 $0x10280;
	s23 =	simm.s32 $0x11280;
	v2 =	vsel vm8, $0x380, v2;
	v3 =	vsel vm8, $0x2380, v3  }
0xb: {  	vm11 =	vcmask $0x2B28;
	s24 =	simm.s32 $0x12280;
	s25 =	simm.s32 $0x13280;
	s28 =	simm.s32 $0x280;
	v2 =	vsel vm9, $0x1000, v2;
	v3 =	vsel vm9, $0x3000, v3  }
0xc: {  	vm12 =	vcmask $0x2F2C;
	s31 =	simm.s32 $0x3;
	s2 =	sand.u32 $0x1, s2;
	s4 =	sshll.u32 s4, $0xA;
	v2 =	vsel vm10, $0x1080, v2;
	v3 =	vsel vm10, $0x3080, v3  }
0xd: {  	vm13 =	vcmask $0x3330;
	[smem:$0x7FF] =	sst s6;
	s5 =	sshll.u32 s2, $0x9;
	s2 =	ssub.s32 $0x2, s2;
	v2 =	vsel vm11, $0x1100, v2;
	v3 =	vsel vm11, $0x3100, v3  }
0xe: {  	vm14 =	vcmask $0x3734;
	_ =	strace $0x80000047;
	s5 =	sor.u32 s5, s4;
	s26 =	sshrl.u32 s2, $0x1;
	v2 =	vsel vm12, $0x1180, v2;
	v3 =	vsel vm12, $0x3180, v3  }
0xf: {  	v1 =	vmul.u32 $0x80, v1;
	s29 =	sshrl.u32 s5, $0x3;
	s2 =	ssub.s32 s2, s26;
	s30 =	sadd.s32 s3, s5;
	v2 =	vsel vm13, $0x1200, v2;
	v3 =	vsel vm13, $0x3200, v3  }
0x10: {  	vm15 =	vcmask $0x3B38;
	s26 =	simm.s32 $0x2;
	s1 =	sadd.s32 s1, s29;
	[dreg:$0x5] =	wrdreg s30;
	v2 =	vsel vm14, $0x1280, v2;
	v4 =	vsel vm14, $0x3280, v3  }
0x11: {  	s6 =	smax.u32 s2, $0x1;
	s2 =	simm.s32 $0x0;
	[dreg:$0x4] =	wrdreg s1;
	v3 =	vor.u32 $0x800, v1;
	v2 =	vsel vm15, $0x1300, v2;
	v4 =	vsel vm15, $0x3300, v4  }
.LBB2_1:
0x12: {  	s1 =	simm.s32 $0x0;
	s3 =	rddreg [dreg:$0x4]  }
0x13: {  	[tilespmem:s1], [sflag:$0x1] =	stream.linear.gather [hbm4b:s3+s1], $0x200, $0x38;
	[tilespmem:$0x14280] =	vst v63  }
0x14: {  	_ =	swait.ge [sflag:s8], $0x200  }
0x15: {  	[sflag:s8] =	ssyncset.done $0x0  }
0x16: {  	[sflag:s8] =	ssyncadd.s32 $0xFFFFFE00  }
0x17: {  	v5 =	vld [tilespmem:$0x0];
	_ =	sdelay $0x4  }
0x18: {  	v6 =	vshra.s32 v5, $0x1F;
	v7 =	vand.u32 $0x7F, v5  }
0x19: {  	vm1 =	vlt.s32 v5, $0x1;
	vm0 =	vne.s32 v7, $0x0;
	v6 =	vshrl.u32 v6, $0x19  }
0x1a: {  	v5 =	vadd.s32 v6, v5;
	vm0 =	vmand vm1, vm0  }
0x1b: {  	v5 =	vshrl.u32 v5, $0x7;
	v6 =	vsel vm0, $0xFFFFFFFF, v0  }
0x1c: {  	v5 =	vadd.s32 v6, v5  }
0x1d: {  	v5 =	vshll.u32 v5, $0x7  }
0x1e: {  	v5 =	vadd.s32 s0, v5  }
0x1f: {  	(v2sf) =	vpush v5, $0x0;
	_ =	sdelay $0x1  }
0x20: {  	(v2sf) =	vpush v5, $0x1;
	_ =	sdelay $0x1  }
0x21: {  	(v2sf) =	vpush v5, $0x2;
	_ =	sdelay $0x1  }
0x22: {  	(v2sf) =	vpush v5, $0x3;
	_ =	sdelay $0x1  }
0x23: {  	(v2sf) =	vpush v5, $0x4;
	_ =	sdelay $0x1  }
0x24: {  	(v2sf) =	vpush v5, $0x5;
	_ =	sdelay $0x1  }
0x25: {  	(v2sf) =	vpush v5, $0x6;
	_ =	sdelay $0x1  }
0x26: {  	(v2sf) =	vpush v5, $0x7  }
0x27: {  	s5 =	spop (v2sf)  }
0x28: {  	[tilespmem:s10], [sflag:$0x2] =	stream.strided.gather [hbm4b:s5+s7], $0x1000, s9, s7, $0x38;
	[tilespmem:$0x14280] =	vst v63  }
0x29: {  	s29 =	spop (v2sf)  }
0x2a: {  	[tilespmem:s11], [sflag:$0x2] =	stream.strided.gather [hbm4b:s29+s7], $0x1000, s9, s7, $0x38;
	[tilespmem:$0x14280] =	vst v63  }
0x2b: {  	s30 =	spop (v2sf)  }
0x2c: {  	[tilespmem:s12], [sflag:$0x2] =	stream.strided.gather [hbm4b:s30+s7], $0x1000, s9, s7, $0x38;
	[tilespmem:$0x14280] =	vst v63  }
0x2d: {  	s3 =	spop (v2sf)  }
0x2e: {  	[tilespmem:s13], [sflag:$0x2] =	stream.strided.gather [hbm4b:s3+s7], $0x1000, s9, s7, $0x38;
	[tilespmem:$0x14280] =	vst v63  }
0x2f: {  	s4 =	spop (v2sf)  }
0x30: {  	[tilespmem:s14], [sflag:$0x2] =	stream.strided.gather [hbm4b:s4+s7], $0x1000, s9, s7, $0x38;
	[tilespmem:$0x14280] =	vst v63  }
0x31: {  	s5 =	spop (v2sf)  }
0x32: {  	[tilespmem:s15], [sflag:$0x2] =	stream.strided.gather [hbm4b:s5+s7], $0x1000, s9, s7, $0x38;
	[tilespmem:$0x14280] =	vst v63  }
0x33: {  	s29 =	spop (v2sf)  }
0x34: {  	[tilespmem:s16], [sflag:$0x2] =	stream.strided.gather [hbm4b:s29+s7], $0x1000, s9, s7, $0x38;
	[tilespmem:$0x14280] =	vst v63  }
0x35: {  	s1 =	simm.s32 $0x8;
	s30 =	spop (v2sf);
	s3 =	simm.s32 $0x0  }
0x36: {  	[tilespmem:s17], [sflag:$0x2] =	stream.strided.gather [hbm4b:s30+s7], $0x1000, s9, s7, $0x38;
	[tilespmem:$0x14280] =	vst v63  }
.LBB2_2:
0x37: {  	v5 =	vld [tilespmem:s1+$0x0];
	_ =	sdelay $0x4  }
0x38: {  	v6 =	vshra.s32 v5, $0x1F;
	v7 =	vand.u32 $0x7F, v5  }
0x39: {  	vm0 =	vlt.s32 v5, $0x1;
	v6 =	vshrl.u32 v6, $0x19;
	vm1 =	vne.s32 v7, $0x0  }
0x3a: {  	v5 =	vadd.s32 v6, v5;
	vm0 =	vmand vm0, vm1  }
0x3b: {  	v5 =	vshrl.u32 v5, $0x7;
	v6 =	vsel vm0, $0xFFFFFFFF, v0  }
0x3c: {  	v5 =	vadd.s32 v6, v5  }
0x3d: {  	v5 =	vshll.u32 v5, $0x7  }
0x3e: {  	v5 =	vadd.s32 s0, v5  }
0x3f: {  	(v2sf) =	vpush v5, $0x0;
	_ =	sdelay $0x1  }
0x40: {  	(v2sf) =	vpush v5, $0x1;
	_ =	sdelay $0x1  }
0x41: {  	(v2sf) =	vpush v5, $0x2;
	_ =	sdelay $0x1  }
0x42: {  	(v2sf) =	vpush v5, $0x3;
	_ =	sdelay $0x1  }
0x43: {  	(v2sf) =	vpush v5, $0x4;
	_ =	sdelay $0x1  }
0x44: {  	(v2sf) =	vpush v5, $0x5;
	_ =	sdelay $0x1  }
0x45: {  	(v2sf) =	vpush v5, $0x6;
	_ =	sdelay $0x1  }
0x46: {  	(v2sf) =	vpush v5, $0x7  }
0x47: {  	s29 =	spop (v2sf)  }
0x48: {  	[tilespmem:s18], [sflag:$0x2] =	stream.strided.gather [hbm4b:s29+s7], $0x1000, s9, s7, $0x38;
	[tilespmem:$0x14280] =	vst v63  }
0x49: {  	s4 =	spop (v2sf)  }
0x4a: {  	[tilespmem:s19], [sflag:$0x2] =	stream.strided.gather [hbm4b:s4+s7], $0x1000, s9, s7, $0x38;
	[tilespmem:$0x14280] =	vst v63  }
0x4b: {  	s5 =	spop (v2sf)  }
0x4c: {  	[tilespmem:s20], [sflag:$0x2] =	stream.strided.gather [hbm4b:s5+s7], $0x1000, s9, s7, $0x38;
	[tilespmem:$0x14280] =	vst v63  }
0x4d: {  	s30 =	spop (v2sf)  }
0x4e: {  	[tilespmem:s21], [sflag:$0x2] =	stream.strided.gather [hbm4b:s30+s7], $0x1000, s9, s7, $0x38;
	[tilespmem:$0x14280] =	vst v63  }
0x4f: {  	s4 =	spop (v2sf)  }
0x50: {  	[tilespmem:s22], [sflag:$0x2] =	stream.strided.gather [hbm4b:s4+s7], $0x1000, s9, s7, $0x38;
	[tilespmem:$0x14280] =	vst v63  }
0x51: {  	s5 =	spop (v2sf)  }
0x52: {  	[tilespmem:s23], [sflag:$0x2] =	stream.strided.gather [hbm4b:s5+s7], $0x1000, s9, s7, $0x38;
	[tilespmem:$0x14280] =	vst v63  }
0x53: {  	s30 =	spop (v2sf)  }
0x54: {  	[tilespmem:s24], [sflag:$0x2] =	stream.strided.gather [hbm4b:s30+s7], $0x1000, s9, s7, $0x38;
	[tilespmem:$0x14280] =	vst v63  }
0x55: {  	s4 =	spop (v2sf)  }
0x56: {  	[tilespmem:s25], [sflag:$0x2] =	stream.strided.gather [hbm4b:s4+s7], $0x1000, s9, s7, $0x38;
	[tilespmem:$0x14280] =	vst v63  }
0x57: {  	_ =	swait.ge [sflag:s26], $0x1000  }
0x58: {  	[sflag:s26] =	ssyncset.done $0x0  }
0x59: {  	[sflag:s26] =	ssyncadd.s32 $0xFFFFF000  }
0x5a: {  	_ =	swait.ge [sflag:s26], $0x1000  }
0x5b: {  	[sflag:s26] =	ssyncset.done $0x0  }
0x5c: {  	[sflag:s26] =	ssyncadd.s32 $0xFFFFF000  }
0x5d: {  	_ =	swait.ge [sflag:s26], $0x1000  }
0x5e: {  	[sflag:s26] =	ssyncset.done $0x0  }
0x5f: {  	[sflag:s26] =	ssyncadd.s32 $0xFFFFF000  }
0x60: {  	_ =	swait.ge [sflag:s26], $0x1000  }
0x61: {  	[sflag:s26] =	ssyncset.done $0x0  }
0x62: {  	[sflag:s26] =	ssyncadd.s32 $0xFFFFF000  }
0x63: {  	_ =	swait.ge [sflag:s26], $0x1000  }
0x64: {  	[sflag:s26] =	ssyncset.done $0x0  }
0x65: {  	[sflag:s26] =	ssyncadd.s32 $0xFFFFF000  }
0x66: {  	_ =	swait.ge [sflag:s26], $0x1000  }
0x67: {  	[sflag:s26] =	ssyncset.done $0x0  }
0x68: {  	[sflag:s26] =	ssyncadd.s32 $0xFFFFF000  }
0x69: {  	_ =	swait.ge [sflag:s26], $0x1000  }
0x6a: {  	[sflag:s26] =	ssyncset.done $0x0  }
0x6b: {  	[sflag:s26] =	ssyncadd.s32 $0xFFFFF000  }
0x6c: {  	_ =	swait.ge [sflag:s26], $0x1000  }
0x6d: {  	[sflag:s26] =	ssyncset.done $0x0  }
0x6e: {  	[sflag:s26] =	ssyncadd.s32 $0xFFFFF000  }
0x6f: {  	v5 =	vld [tilespmem:s1+$0xFFFFFFF8];
	_ =	sdelay $0x4  }
0x70: {  	v5 =	vand.u32 $0x7F, v5  }
0x71: {  	v6 =	vbroadcast v5, $0x0;
	_ =	sdelay $0x1  }
0x72: {  	v7 =	vor.u32 v1, v6  }
0x73: {  	v8 =	vmov s3  }
0x74: {  	v9 =	vshll.u32 v8, $0x3  }
0x75: {  	v8 =	vand.u32 $0x70, v8;
	v9 =	vand.u32 $0xC00, v9  }
0x76: {  	v8 =	vor.u32 v8, v9  }
0x77: {  	v9 =	vor.u32 v2, v8;
	v7 =	vld.idx.msk [tilespmem:v7+s10+$0x0], $0xffff  }
0x78: {  	v6 =	vor.u32 v3, v6;
	_ =	sdelay $0x3  }
0x79: {  	[tilespmem:v9+s28+$0x0] =	vst.idx.msk $0xffff, v7;
	v7 =	vbroadcast v5, $0x1  }
0x7a: {  	v8 =	vor.u32 v4, v8;
	v6 =	vld.idx.msk [tilespmem:v6+s10+$0x0], $0xffff  }
0x7b: {  	s5 =	sadd.s32 $0x1, s3;
	v54 =	vor.u32 v1, v7  }
0x7c: {  	v10 =	vmov s5  }
0x7d: {  	v11 =	vshll.u32 v10, $0x3  }
0x7e: {  	v10 =	vand.u32 $0x71, v10;
	v11 =	vand.u32 $0xC00, v11  }
0x7f: {  	[tilespmem:v8+s28+$0x0] =	vst.idx.msk $0xffff, v6;
	v6 =	vor.u32 v10, v11  }
0x80: {  	v8 =	vld.idx.msk [tilespmem:v54+s11+$0x0], $0xffff;
	v55 =	vor.u32 v2, v6  }
0x81: {  	v7 =	vor.u32 v3, v7;
	_ =	sdelay $0x3  }
0x82: {  	v56 =	vbroadcast v5, $0x2;
	[tilespmem:v55+s28+$0x0] =	vst.idx.msk $0xffff, v8  }
0x83: {  	v6 =	vor.u32 v4, v6;
	v7 =	vld.idx.msk [tilespmem:v7+s11+$0x0], $0xffff  }
0x84: {  	s30 =	sadd.s32 $0x2, s3;
	v57 =	vor.u32 v1, v56  }
0x85: {  	v58 =	vmov s30  }
0x86: {  	v59 =	vshll.u32 v58, $0x3  }
0x87: {  	v10 =	vand.u32 $0x72, v58;
	v11 =	vand.u32 $0xC00, v59  }
0x88: {  	[tilespmem:v6+s28+$0x0] =	vst.idx.msk $0xffff, v7;
	v6 =	vor.u32 v10, v11  }
0x89: {  	v7 =	vld.idx.msk [tilespmem:v57+s12+$0x0], $0xffff;
	v60 =	vor.u32 v2, v6  }
0x8a: {  	v8 =	vor.u32 v3, v56;
	_ =	sdelay $0x3  }
0x8b: {  	[tilespmem:v60+s28+$0x0] =	vst.idx.msk $0xffff, v7;
	v7 =	vbroadcast v5, $0x3  }
0x8c: {  	v6 =	vor.u32 v4, v6;
	v8 =	vld.idx.msk [tilespmem:v8+s12+$0x0], $0xffff  }
0x8d: {  	s4 =	sadd.s32 $0x3, s3;
	v61 =	vor.u32 v1, v7  }
0x8e: {  	v62 =	vmov s4  }
0x8f: {  	v63 =	vshll.u32 v62, $0x3  }
0x90: {  	v10 =	vand.u32 $0x73, v62;
	v11 =	vand.u32 $0xC00, v63  }
0x91: {  	[tilespmem:v6+s28+$0x0] =	vst.idx.msk $0xffff, v8;
	v6 =	vor.u32 v10, v11  }
0x92: {  	v8 =	vld.idx.msk [tilespmem:v61+s13+$0x0], $0xffff;
	v12 =	vor.u32 v2, v6  }
0x93: {  	v7 =	vor.u32 v3, v7;
	_ =	sdelay $0x3  }
0x94: {  	v13 =	vbroadcast v5, $0x4;
	[tilespmem:v12+s28+$0x0] =	vst.idx.msk $0xffff, v8  }
0x95: {  	v6 =	vor.u32 v4, v6;
	v7 =	vld.idx.msk [tilespmem:v7+s13+$0x0], $0xffff  }
0x96: {  	s5 =	sadd.s32 $0x4, s3;
	v14 =	vor.u32 v1, v13  }
0x97: {  	v15 =	vmov s5  }
0x98: {  	v16 =	vshll.u32 v15, $0x3  }
0x99: {  	v10 =	vand.u32 $0x74, v15;
	v11 =	vand.u32 $0xC00, v16  }
0x9a: {  	[tilespmem:v6+s28+$0x0] =	vst.idx.msk $0xffff, v7;
	v6 =	vor.u32 v10, v11  }
0x9b: {  	v7 =	vld.idx.msk [tilespmem:v14+s14+$0x0], $0xffff;
	v17 =	vor.u32 v2, v6  }
0x9c: {  	v8 =	vor.u32 v3, v13;
	_ =	sdelay $0x3  }
0x9d: {  	[tilespmem:v17+s28+$0x0] =	vst.idx.msk $0xffff, v7;
	v7 =	vbroadcast v5, $0x5  }
0x9e: {  	v6 =	vor.u32 v4, v6;
	v8 =	vld.idx.msk [tilespmem:v8+s14+$0x0], $0xffff  }
0x9f: {  	s30 =	sadd.s32 $0x5, s3;
	v18 =	vor.u32 v1, v7  }
0xa0: {  	v19 =	vmov s30  }
0xa1: {  	v20 =	vshll.u32 v19, $0x3  }
0xa2: {  	v10 =	vand.u32 $0x75, v19;
	v11 =	vand.u32 $0xC00, v20  }
0xa3: {  	[tilespmem:v6+s28+$0x0] =	vst.idx.msk $0xffff, v8;
	v6 =	vor.u32 v10, v11  }
0xa4: {  	v8 =	vld.idx.msk [tilespmem:v18+s15+$0x0], $0xffff;
	v21 =	vor.u32 v2, v6  }
0xa5: {  	v7 =	vor.u32 v3, v7;
	_ =	sdelay $0x3  }
0xa6: {  	v22 =	vbroadcast v5, $0x6;
	[tilespmem:v21+s28+$0x0] =	vst.idx.msk $0xffff, v8  }
0xa7: {  	v6 =	vor.u32 v4, v6;
	v7 =	vld.idx.msk [tilespmem:v7+s15+$0x0], $0xffff  }
0xa8: {  	s4 =	sadd.s32 $0x6, s3;
	v23 =	vor.u32 v1, v22  }
0xa9: {  	v24 =	vmov s4  }
0xaa: {  	v25 =	vshll.u32 v24, $0x3  }
0xab: {  	v10 =	vand.u32 $0x76, v24;
	v11 =	vand.u32 $0xC00, v25  }
0xac: {  	[tilespmem:v6+s28+$0x0] =	vst.idx.msk $0xffff, v7;
	v6 =	vor.u32 v10, v11  }
0xad: {  	v7 =	vld.idx.msk [tilespmem:v23+s16+$0x0], $0xffff;
	v26 =	vor.u32 v2, v6  }
0xae: {  	v8 =	vor.u32 v3, v22;
	_ =	sdelay $0x3  }
0xaf: {  	v5 =	vbroadcast v5, $0x7;
	[tilespmem:v26+s28+$0x0] =	vst.idx.msk $0xffff, v7  }
0xb0: {  	v6 =	vor.u32 v4, v6;
	v7 =	vld.idx.msk [tilespmem:v8+s16+$0x0], $0xffff  }
0xb1: {  	s5 =	sadd.s32 $0x7, s3;
	v27 =	vor.u32 v1, v5  }
0xb2: {  	v28 =	vmov s5  }
0xb3: {  	v29 =	vshll.u32 v28, $0x3  }
0xb4: {  	v9 =	vand.u32 $0x77, v28;
	v10 =	vand.u32 $0xC00, v29  }
0xb5: {  	[tilespmem:v6+s28+$0x0] =	vst.idx.msk $0xffff, v7;
	v6 =	vor.u32 v9, v10  }
0xb6: {  	v7 =	vld.idx.msk [tilespmem:v27+s17+$0x0], $0xffff;
	v30 =	vor.u32 v2, v6  }
0xb7: {  	v5 =	vor.u32 v3, v5;
	_ =	sdelay $0x3  }
0xb8: {  	[tilespmem:v30+s28+$0x0] =	vst.idx.msk $0xffff, v7  }
0xb9: {  	v6 =	vor.u32 v4, v6;
	v5 =	vld.idx.msk [tilespmem:v5+s17+$0x0], $0xffff;
	_ =	sdelay $0x4  }
0xba: {  	p0 =	seq.s32 s3, $0x1F0;
	[tilespmem:v6+s28+$0x0] =	vst.idx.msk $0xffff, v5  }
0xbb: {  	v5 =	vld @!p0 [tilespmem:s1+$0x8];
	_ =	sdelay $0x4  }
0xbc: {  	v6 =	vshra.s32 @!p0 v5, $0x1F;
	v7 =	vand.u32 @!p0 $0x7F, v5  }
0xbd: {  	vm0 =	vlt.s32 @!p0 v5, $0x1;
	v6 =	vshrl.u32 @!p0 v6, $0x19;
	vm1 =	vne.s32 @!p0 v7, $0x0  }
0xbe: {  	v5 =	vadd.s32 @!p0 v6, v5;
	vm0 =	vmand @!p0 vm0, vm1;
	v6 =	vimm.s32 @!p0 $0x0  }
0xbf: {  	v5 =	vshrl.u32 @!p0 v5, $0x7;
	v6 =	vsel @!p0 vm0, $0xFFFFFFFF, v6  }
0xc0: {  	v5 =	vadd.s32 @!p0 v6, v5  }
0xc1: {  	v5 =	vshll.u32 @!p0 v5, $0x7  }
0xc2: {  	v5 =	vadd.s32 @!p0 s0, v5  }
0xc3: {  	(v2sf) =	vpush @!p0 v5, $0x0;
	_ =	sdelay $0x2  }
0xc4: {  	(v2sf) =	vpush @!p0 v5, $0x1;
	_ =	sdelay $0x1  }
0xc5: {  	(v2sf) =	vpush @!p0 v5, $0x2;
	_ =	sdelay $0x1  }
0xc6: {  	(v2sf) =	vpush @!p0 v5, $0x3;
	_ =	sdelay $0x1  }
0xc7: {  	(v2sf) =	vpush @!p0 v5, $0x4;
	_ =	sdelay $0x1  }
0xc8: {  	(v2sf) =	vpush @!p0 v5, $0x5;
	_ =	sdelay $0x1  }
0xc9: {  	(v2sf) =	vpush @!p0 v5, $0x6;
	_ =	sdelay $0x1  }
0xca: {  	s29 =	spop @!p0 (v2sf);
	(v2sf) =	vpush @!p0 v5, $0x7  }
0xcb: {  	s5 =	simm.s32 @!p0 $0x4280;
	s30 =	simm.s32 @!p0 $0x400;
	s4 =	simm.s32 @!p0 $0x7A1400  }
0xcc: {  	[tilespmem:s5], [sflag:$0x2] =	stream.strided.gather @!p0 [hbm4b:s29+s30], $0x1000, s4, s30, $0x38;
	[tilespmem:$0x14280] =	vst v63  }
0xcd: {  	s5 =	spop @!p0 (v2sf);
	s29 =	simm.s32 @!p0 $0x5280  }
0xce: {  	[tilespmem:s29], [sflag:$0x2] =	stream.strided.gather @!p0 [hbm4b:s5+s30], $0x1000, s4, s30, $0x38;
	[tilespmem:$0x14280] =	vst v63  }
0xcf: {  	s5 =	spop @!p0 (v2sf);
	s29 =	simm.s32 @!p0 $0x6280  }
0xd0: {  	[tilespmem:s29], [sflag:$0x2] =	stream.strided.gather @!p0 [hbm4b:s5+s30], $0x1000, s4, s30, $0x38;
	[tilespmem:$0x14280] =	vst v63  }
0xd1: {  	s5 =	spop @!p0 (v2sf);
	s29 =	simm.s32 @!p0 $0x7280  }
0xd2: {  	[tilespmem:s29], [sflag:$0x2] =	stream.strided.gather @!p0 [hbm4b:s5+s30], $0x1000, s4, s30, $0x38;
	[tilespmem:$0x14280] =	vst v63  }
0xd3: {  	s5 =	spop @!p0 (v2sf);
	s29 =	simm.s32 @!p0 $0x8280  }
0xd4: {  	[tilespmem:s29], [sflag:$0x2] =	stream.strided.gather @!p0 [hbm4b:s5+s30], $0x1000, s4, s30, $0x38;
	[tilespmem:$0x14280] =	vst v63  }
0xd5: {  	s5 =	spop @!p0 (v2sf);
	s29 =	simm.s32 @!p0 $0x9280  }
0xd6: {  	[tilespmem:s29], [sflag:$0x2] =	stream.strided.gather @!p0 [hbm4b:s5+s30], $0x1000, s4, s30, $0x38;
	[tilespmem:$0x14280] =	vst v63  }
0xd7: {  	s5 =	spop @!p0 (v2sf);
	s29 =	simm.s32 @!p0 $0xA280  }
0xd8: {  	[tilespmem:s29], [sflag:$0x2] =	stream.strided.gather @!p0 [hbm4b:s5+s30], $0x1000, s4, s30, $0x38;
	[tilespmem:$0x14280] =	vst v63  }
0xd9: {  	s29 =	simm.s32 @!p0 $0xB280;
	s5 =	spop @!p0 (v2sf)  }
0xda: {  	[tilespmem:s29], [sflag:$0x2] =	stream.strided.gather @!p0 [hbm4b:s5+s30], $0x1000, s4, s30, $0x38;
	[tilespmem:$0x14280] =	vst v63  }
0xdb: {  	_ =	swait.ge [sflag:s26], $0x1000  }
0xdc: {  	[sflag:s26] =	ssyncset.done $0x0  }
0xdd: {  	[sflag:s26] =	ssyncadd.s32 $0xFFFFF000  }
0xde: {  	_ =	swait.ge [sflag:s26], $0x1000  }
0xdf: {  	[sflag:s26] =	ssyncset.done $0x0  }
0xe0: {  	[sflag:s26] =	ssyncadd.s32 $0xFFFFF000  }
0xe1: {  	_ =	swait.ge [sflag:s26], $0x1000  }
0xe2: {  	[sflag:s26] =	ssyncset.done $0x0  }
0xe3: {  	[sflag:s26] =	ssyncadd.s32 $0xFFFFF000  }
0xe4: {  	_ =	swait.ge [sflag:s26], $0x1000  }
0xe5: {  	[sflag:s26] =	ssyncset.done $0x0  }
0xe6: {  	[sflag:s26] =	ssyncadd.s32 $0xFFFFF000  }
0xe7: {  	_ =	swait.ge [sflag:s26], $0x1000  }
0xe8: {  	[sflag:s26] =	ssyncset.done $0x0  }
0xe9: {  	[sflag:s26] =	ssyncadd.s32 $0xFFFFF000  }
0xea: {  	_ =	swait.ge [sflag:s26], $0x1000  }
0xeb: {  	[sflag:s26] =	ssyncset.done $0x0  }
0xec: {  	[sflag:s26] =	ssyncadd.s32 $0xFFFFF000  }
0xed: {  	_ =	swait.ge [sflag:s26], $0x1000  }
0xee: {  	[sflag:s26] =	ssyncset.done $0x0  }
0xef: {  	[sflag:s26] =	ssyncadd.s32 $0xFFFFF000  }
0xf0: {  	_ =	swait.ge [sflag:s26], $0x1000  }
0xf1: {  	[sflag:s26] =	ssyncset.done $0x0  }
0xf2: {  	[sflag:s26] =	ssyncadd.s32 $0xFFFFF000  }
0xf3: {  	v5 =	vld [tilespmem:s1+$0x0];
	_ =	sdelay $0x4  }
0xf4: {  	v5 =	vand.u32 $0x7F, v5  }
0xf5: {  	v6 =	vbroadcast v5, $0x0;
	_ =	sdelay $0x1  }
0xf6: {  	s29 =	sadd.s32 $0x8, s3;
	v7 =	vor.u32 v1, v6  }
0xf7: {  	v31 =	vmov s29  }
0xf8: {  	v32 =	vshll.u32 v31, $0x3  }
0xf9: {  	v8 =	vand.u32 $0x78, v31;
	v9 =	vand.u32 $0x7FFFFC00, v32  }
0xfa: {  	v8 =	vor.u32 v8, v9  }
0xfb: {  	v9 =	vadd.s32 v2, v8;
	v7 =	vld.idx.msk [tilespmem:v7+s18+$0x0], $0xffff  }
0xfc: {  	v6 =	vor.u32 v3, v6;
	_ =	sdelay $0x3  }
0xfd: {  	[tilespmem:v9+s28+$0x0] =	vst.idx.msk $0xffff, v7;
	v7 =	vbroadcast v5, $0x1  }
0xfe: {  	v8 =	vadd.s32 v4, v8;
	v6 =	vld.idx.msk [tilespmem:v6+s18+$0x0], $0xffff  }
0xff: {  	s30 =	sadd.s32 $0x9, s3;
	v33 =	vor.u32 v1, v7  }
0x100: {  	v34 =	vmov s30  }
0x101: {  	v35 =	vshll.u32 v34, $0x3  }
0x102: {  	v10 =	vand.u32 $0x79, v34;
	v11 =	vand.u32 $0x7FFFFC00, v35  }
0x103: {  	[tilespmem:v8+s28+$0x0] =	vst.idx.msk $0xffff, v6;
	v6 =	vor.u32 v10, v11  }
0x104: {  	v8 =	vld.idx.msk [tilespmem:v33+s19+$0x0], $0xffff;
	v36 =	vadd.s32 v2, v6  }
0x105: {  	v7 =	vor.u32 v3, v7;
	_ =	sdelay $0x3  }
0x106: {  	v37 =	vbroadcast v5, $0x2;
	[tilespmem:v36+s28+$0x0] =	vst.idx.msk $0xffff, v8  }
0x107: {  	v6 =	vadd.s32 v4, v6;
	v7 =	vld.idx.msk [tilespmem:v7+s19+$0x0], $0xffff  }
0x108: {  	s5 =	sadd.s32 $0xA, s3;
	v38 =	vor.u32 v1, v37  }
0x109: {  	v39 =	vmov s5  }
0x10a: {  	v40 =	vshll.u32 v39, $0x3  }
0x10b: {  	v10 =	vand.u32 $0x7A, v39;
	v11 =	vand.u32 $0x7FFFFC00, v40  }
0x10c: {  	[tilespmem:v6+s28+$0x0] =	vst.idx.msk $0xffff, v7;
	v6 =	vor.u32 v10, v11  }
0x10d: {  	v7 =	vld.idx.msk [tilespmem:v38+s20+$0x0], $0xffff;
	v41 =	vadd.s32 v2, v6  }
0x10e: {  	v8 =	vor.u32 v3, v37;
	_ =	sdelay $0x3  }
0x10f: {  	[tilespmem:v41+s28+$0x0] =	vst.idx.msk $0xffff, v7;
	v7 =	vbroadcast v5, $0x3  }
0x110: {  	v6 =	vadd.s32 v4, v6;
	v8 =	vld.idx.msk [tilespmem:v8+s20+$0x0], $0xffff  }
0x111: {  	s29 =	sadd.s32 $0xB, s3;
	v42 =	vor.u32 v1, v7  }
0x112: {  	v43 =	vmov s29  }
0x113: {  	v44 =	vshll.u32 v43, $0x3  }
0x114: {  	v10 =	vand.u32 $0x7B, v43;
	v11 =	vand.u32 $0x7FFFFC00, v44  }
0x115: {  	[tilespmem:v6+s28+$0x0] =	vst.idx.msk $0xffff, v8;
	v6 =	vor.u32 v10, v11  }
0x116: {  	v8 =	vld.idx.msk [tilespmem:v42+s21+$0x0], $0xffff;
	v45 =	vadd.s32 v2, v6  }
0x117: {  	v7 =	vor.u32 v3, v7;
	_ =	sdelay $0x3  }
0x118: {  	v46 =	vbroadcast v5, $0x4;
	[tilespmem:v45+s28+$0x0] =	vst.idx.msk $0xffff, v8  }
0x119: {  	v6 =	vadd.s32 v4, v6;
	v7 =	vld.idx.msk [tilespmem:v7+s21+$0x0], $0xffff  }
0x11a: {  	s30 =	sadd.s32 $0xC, s3;
	v47 =	vor.u32 v1, v46  }
0x11b: {  	v48 =	vmov s30  }
0x11c: {  	v49 =	vshll.u32 v48, $0x3  }
0x11d: {  	v10 =	vand.u32 $0x7C, v48;
	v11 =	vand.u32 $0x7FFFFC00, v49  }
0x11e: {  	[tilespmem:v6+s28+$0x0] =	vst.idx.msk $0xffff, v7;
	v6 =	vor.u32 v10, v11  }
0x11f: {  	v7 =	vld.idx.msk [tilespmem:v47+s22+$0x0], $0xffff;
	v50 =	vadd.s32 v2, v6  }
0x120: {  	v8 =	vor.u32 v3, v46;
	_ =	sdelay $0x3  }
0x121: {  	[tilespmem:v50+s28+$0x0] =	vst.idx.msk $0xffff, v7;
	v7 =	vbroadcast v5, $0x5  }
0x122: {  	v6 =	vadd.s32 v4, v6;
	v8 =	vld.idx.msk [tilespmem:v8+s22+$0x0], $0xffff  }
0x123: {  	s5 =	sadd.s32 $0xD, s3;
	v51 =	vor.u32 v1, v7  }
0x124: {  	v52 =	vmov s5  }
0x125: {  	v53 =	vshll.u32 v52, $0x3  }
0x126: {  	v10 =	vand.u32 $0x7D, v52;
	v11 =	vand.u32 $0x7FFFFC00, v53  }
0x127: {  	[tilespmem:v6+s28+$0x0] =	vst.idx.msk $0xffff, v8;
	v6 =	vor.u32 v10, v11  }
0x128: {  	v8 =	vld.idx.msk [tilespmem:v51+s23+$0x0], $0xffff;
	v54 =	vadd.s32 v2, v6  }
0x129: {  	v7 =	vor.u32 v3, v7;
	_ =	sdelay $0x3  }
0x12a: {  	v55 =	vbroadcast v5, $0x6;
	[tilespmem:v54+s28+$0x0] =	vst.idx.msk $0xffff, v8  }
0x12b: {  	v6 =	vadd.s32 v4, v6;
	v7 =	vld.idx.msk [tilespmem:v7+s23+$0x0], $0xffff  }
0x12c: {  	s29 =	sadd.s32 $0xE, s3;
	v56 =	vor.u32 v1, v55  }
0x12d: {  	v57 =	vmov s29  }
0x12e: {  	v58 =	vshll.u32 v57, $0x3  }
0x12f: {  	v10 =	vand.u32 $0x7E, v57;
	v11 =	vand.u32 $0x7FFFFC00, v58  }
0x130: {  	[tilespmem:v6+s28+$0x0] =	vst.idx.msk $0xffff, v7;
	v6 =	vor.u32 v10, v11  }
0x131: {  	v7 =	vld.idx.msk [tilespmem:v56+s24+$0x0], $0xffff;
	v59 =	vadd.s32 v2, v6  }
0x132: {  	v8 =	vor.u32 v3, v55;
	_ =	sdelay $0x3  }
0x133: {  	v5 =	vbroadcast v5, $0x7;
	[tilespmem:v59+s28+$0x0] =	vst.idx.msk $0xffff, v7  }
0x134: {  	v6 =	vadd.s32 v4, v6;
	v7 =	vld.idx.msk [tilespmem:v8+s24+$0x0], $0xffff  }
0x135: {  	s30 =	sadd.s32 $0xF, s3;
	v60 =	vor.u32 v1, v5  }
0x136: {  	v61 =	vmov s30  }
0x137: {  	v62 =	vshll.u32 v61, $0x3  }
0x138: {  	v9 =	vand.u32 $0x7F, v61;
	v10 =	vand.u32 $0x7FFFFC00, v62  }
0x139: {  	[tilespmem:v6+s28+$0x0] =	vst.idx.msk $0xffff, v7;
	v6 =	vor.u32 v9, v10  }
0x13a: {  	v7 =	vld.idx.msk [tilespmem:v60+s25+$0x0], $0xffff;
	v63 =	vadd.s32 v2, v6  }
0x13b: {  	v5 =	vor.u32 v3, v5;
	_ =	sdelay $0x3  }
0x13c: {  	s3 =	sadd.s32 $0x10, s3;
	[tilespmem:v63+s28+$0x0] =	vst.idx.msk $0xffff, v7  }
0x13d: {  	p0 =	sne.s32 s3, $0x200;
	v6 =	vadd.s32 v4, v6;
	v5 =	vld.idx.msk [tilespmem:v5+s25+$0x0], $0xffff  }
.Ltmp0:
0x13e: {  	_ = 	snop;
	(pc) =	sbr.rel @p0 .LBB2_2-.Ltmp0, $2  }
0x13f: {  	_ =	sdelay $0x2  }
0x140: {  	s1 =	sadd.s32 $0x10, s1;
	[tilespmem:v6+s28+$0x0] =	vst.idx.msk $0xffff, v5  }
0x141: {  	s2 =	sadd.s32 $0x1, s2  }
0x142: {  	s1 =	rddreg [dreg:$0x5];
	p0 =	sne.s32 s2, s6  }
.Ltmp1:
0x143: {  	s3 =	simm.s32 $0x1000;
	s4 =	simm.s32 $0x20000;
	(pc) =	sbr.rel @p0 .LBB2_1-.Ltmp1, $4  }
0x144: {  	[hbm4b:s1+s3] =	stream.strided.scatter [tilespmem:s28], [sflag:$0x3], $0x4000, s4, s3, $0x38;
	[tilespmem:$0x14280] =	vst v63  }
0x145: {  	_ =	swait.ge [sflag:s31], $0x4000  }
0x146: {  	[sflag:s31] =	ssyncset.done $0x0  }
0x147: {  	[sflag:s31] =	ssyncadd.s32 $0xFFFFC000  }
0x148: {  	_ =	sfence.sel $0x180000  }
0x149: {  	[bflag:$0x0] =	sbarrier.arrive $0xFFFF  }
0x14a: {  	_ =	strace $0x90000047  }
0x14b: {  	s0 =	stileid.u32;
	[bflag:$0x2] =	sbarrier.arrive $0xFFFF  }
0x14c: {  	p0 =	sne.s32 s0, $0x0;
	s0 =	rddreg [dreg:$0x3]  }
0x14d: {  	s0 =	sadd.s32 @!p0 $0x100000, s0  }
0x14e: {  	[sflag:s0] =	ssyncadd.tile.s32 @!p0 $0x1;
	_ =	shalt  }
.Lfunc_end2:
_tile_overlayer_lowered:
.L_overlay_start_2:
0x14f: {  	(tag) =	ssettag $0x2  }
0x150: {  	s0 =	rddreg [dreg:$0x0];
	s2 =	stileid.u32  }
0x151: {  	s1 =	rddreg [dreg:$0x1];
	p0 =	sne.s32 s2, $0x0  }
0x152: {  	s3 =	rddreg [dreg:$0x2];
	[bflag:$0x3] =	sbarrier.arrive $0xFFFF;
	s2 =	simm.s32 @!p0 $0x1C03  }
0x153: {  	[timem:s3], [sflag:s2] =	dma.local @!p0 [hbm:s0], s1  }
0x154: {  	s0 =	simm.s32 @!p0 $0x3  }
0x155: {  	_ =	swait.ge @!p0 [sflag:s0], s1  }
0x156: {  	s1 =	ssub.s32 @!p0 $0x0, s1;
	[sflag:s0] =	ssyncset.done @!p0 $0x0  }
0x157: {  	[sflag:s0] =	ssyncadd.s32 @!p0 s1  }
0x158: {  	[bflag:$0x3] =	sbarrier.arrive $0xFFFF  }
0x159: {  	_ =	shalt  }

</sc_bundles>
